<compile_context>
chip_gen: v7x
topology: tpu7x:2x2x1
jax: 0.10.2.dev20260603
libtpu: 0.0.44.dev20260713+nightly
codegen_flags: <defaults>
</compile_context>

<pallas_src>
import jax
import jax.numpy as jnp
from jax import lax
from jax.experimental import pallas as pl
from jax.experimental.pallas import tpu as pltpu
from jax.experimental.pallas import tpu_sc as plsc

_H = 768
_E = 8
_F = _H * 2
_T = 2048
_BT = 256
_P = _T * 2 + _E * _BT
_NB = _P // _BT
_NM = 64

_NC = 2
_NS = 16
_NW = _NC * _NS
_CHUNK = _T // _NW


def _router_body(x_ref, rw_ref, rb_ref, pos_ref, wts_ref, meta_ref):
    x = x_ref[...]
    logits = jnp.dot(x, rw_ref[...], preferred_element_type=jnp.float32)
    logits = logits + rb_ref[...][None, :]
    eidx = lax.broadcasted_iota(jnp.int32, (_T, _E), 1)
    m1 = jnp.max(logits, axis=1, keepdims=True)
    i1 = jnp.min(jnp.where(logits == m1, eidx, _E), axis=1, keepdims=True)
    l2 = jnp.where(eidx == i1, -jnp.inf, logits)
    m2 = jnp.max(l2, axis=1, keepdims=True)
    i2 = jnp.min(jnp.where(l2 == m2, eidx, _E), axis=1, keepdims=True)
    r = jnp.exp(m2 - m1)
    w_top1 = 1.0 / (1.0 + r)
    w_top2 = r / (1.0 + r)

    c1 = (eidx == i1).astype(jnp.float32)
    c2 = (eidx == i2).astype(jnp.float32)
    c = c1 + c2
    s = c
    sh = 1
    while sh < _T:
        s = s + jnp.concatenate(
            [jnp.zeros((sh, _E), jnp.float32), s[:-sh, :]], axis=0)
        sh *= 2
    s_excl = s - c
    counts_i = s[_T - 1:_T, :].astype(jnp.int32)
    pc = ((counts_i + (_BT - 1)) // _BT) * _BT
    r8 = lax.broadcasted_iota(jnp.int32, (_E, _E), 0)
    c8 = lax.broadcasted_iota(jnp.int32, (_E, _E), 1)
    triu8 = (r8 < c8).astype(jnp.float32)
    start = jnp.dot(pc.astype(jnp.float32), triu8,
                    preferred_element_type=jnp.float32)
    base = start + s_excl
    pos0 = jnp.sum(c1 * base, axis=1).astype(jnp.int32)
    pos1 = jnp.sum(c2 * base, axis=1).astype(jnp.int32)
    pos_ref[0, :] = pos0
    pos_ref[1, :] = pos1
    wts_ref[0, :] = w_top1[:, 0]
    wts_ref[1, :] = w_top2[:, 0]
    ends = (start + pc.astype(jnp.float32)).astype(jnp.int32).reshape(_E, 1)
    gidx = lax.broadcasted_iota(jnp.int32, (_E, _NB), 1) * _BT
    be = jnp.sum((gidx >= ends).astype(jnp.int32), axis=0, keepdims=True)
    be = jnp.minimum(be, _E - 1)
    pres_f = (pc > 0).astype(jnp.float32)
    rix_row = jnp.dot(pres_f, triu8,
                      preferred_element_type=jnp.float32)
    ident = (r8 == c8).astype(jnp.float32)
    rix_col = jnp.sum(jnp.broadcast_to(rix_row, (_E, _E)) * ident,
                      axis=1, keepdims=True)
    pres_col = jnp.sum(jnp.broadcast_to(pres_f, (_E, _E)) * ident,
                       axis=1, keepdims=True)
    bsel = ((rix_col.astype(jnp.int32) == c8)
            & (pres_col > 0.5)).astype(jnp.int32)
    rexp = jnp.sum(r8 * bsel, axis=0, keepdims=True)
    nrun = jnp.sum((pc > 0).astype(jnp.int32), axis=1, keepdims=True)
    meta_ref[...] = jnp.concatenate(
        [be, rexp, nrun, jnp.zeros((1, _NM - _NB - _E - 1), jnp.int32)],
        axis=1)


def _router(xf, router_w, router_b):
    return pl.pallas_call(
        _router_body,
        grid=(1,),
        in_specs=[
            pl.BlockSpec((_T, _H), lambda i: (0, 0)),
            pl.BlockSpec((_H, _E), lambda i: (0, 0)),
            pl.BlockSpec((_E,), lambda i: (0,)),
        ],
        out_specs=[
            pl.BlockSpec((2, _T), lambda i: (0, 0)),
            pl.BlockSpec((2, _T), lambda i: (0, 0)),
            pl.BlockSpec((1, _NM), lambda i: (0, 0)),
        ],
        out_shape=[
            jax.ShapeDtypeStruct((2, _T), jnp.int32),
            jax.ShapeDtypeStruct((2, _T), jnp.float32),
            jax.ShapeDtypeStruct((1, _NM), jnp.int32),
        ],
    )(xf, router_w, router_b)


def _dispatch_body(x_hbm, pos_hbm, xs_hbm, x_v, idx0_v, idx1_v, sem):
    wid = lax.axis_index("s") * _NC + lax.axis_index("c")
    tbase = wid * _CHUNK
    ld0 = pltpu.async_copy(x_hbm.at[pl.ds(tbase, _CHUNK)], x_v, sem)
    ld1 = pltpu.async_copy(pos_hbm.at[pl.ds(tbase, _CHUNK)], idx0_v, sem)
    ld2 = pltpu.async_copy(pos_hbm.at[pl.ds(_T + tbase, _CHUNK)], idx1_v, sem)
    ld0.wait()
    ld1.wait()
    ld2.wait()
    cp0 = pltpu.async_copy(x_v, xs_hbm.at[idx0_v], sem)
    cp1 = pltpu.async_copy(x_v, xs_hbm.at[idx1_v], sem)
    cp0.wait()
    cp1.wait()


def _dispatch(xf, pos):
    return pl.kernel(
        _dispatch_body,
        mesh=plsc.VectorSubcoreMesh(core_axis_name="c", subcore_axis_name="s"),
        out_type=jax.ShapeDtypeStruct((_P, _H), jnp.float32),
        scratch_types=[
            pltpu.VMEM((_CHUNK, _H), jnp.float32),
            pltpu.VMEM((_CHUNK,), jnp.int32),
            pltpu.VMEM((_CHUNK,), jnp.int32),
            pltpu.SemaphoreType.DMA,
        ],
    )(xf, pos)


def _gmm_body(meta_ref, xs_ref, w1_ref, b1_ref, w2_ref, b2_ref, o_ref,
              w1b, w2b, b1b, b2b, semA, semB, semC, semD, rcnt):
    g = pl.program_id(0)
    s_g = meta_ref[0, g]
    s_prev = meta_ref[0, jnp.maximum(g - 1, 0)]
    nrun = meta_ref[0, _NB + _E]

    def _fetch(e, sl):
        pltpu.make_async_copy(w1_ref.at[e], w1b.at[sl], semA.at[sl]).start()
        pltpu.make_async_copy(w2_ref.at[e], w2b.at[sl], semB.at[sl]).start()
        pltpu.make_async_copy(b1_ref.at[e], b1b.at[sl], semC.at[sl]).start()
        pltpu.make_async_copy(b2_ref.at[e], b2b.at[sl], semD.at[sl]).start()

    def _await(e, sl):
        pltpu.make_async_copy(w1_ref.at[e], w1b.at[sl], semA.at[sl]).wait()
        pltpu.make_async_copy(w2_ref.at[e], w2b.at[sl], semB.at[sl]).wait()
        pltpu.make_async_copy(b1_ref.at[e], b1b.at[sl], semC.at[sl]).wait()
        pltpu.make_async_copy(b2_ref.at[e], b2b.at[sl], semD.at[sl]).wait()

    @pl.when(g == 0)
    def _prime():
        rcnt[0] = 0
        _fetch(meta_ref[0, _NB + 0], 0)

    is_start = jnp.logical_or(g == 0, s_g != s_prev)

    @pl.when(is_start)
    def _run_start():
        r = rcnt[0]
        _await(s_g, lax.rem(r, 2))

        @pl.when(r + 1 < nrun)
        def _():
            _fetch(meta_ref[0, _NB + r + 1], lax.rem(r + 1, 2))

        rcnt[0] = r + 1

    slot = lax.rem(rcnt[0] - 1, 2)
    h = jnp.maximum(
        jnp.dot(xs_ref[...], w1b[slot], preferred_element_type=jnp.float32)
        + b1b[slot], 0.0)
    o_ref[...] = (jnp.dot(h, w2b[slot], preferred_element_type=jnp.float32)
                  + b2b[slot])


def _gmm(meta, xs, w1, b1, w2, b2):
    grid_spec = pltpu.PrefetchScalarGridSpec(
        num_scalar_prefetch=1,
        grid=(_NB,),
        in_specs=[
            pl.BlockSpec((_BT, _H), lambda g, s: (g, 0)),
            pl.BlockSpec(memory_space=pl.ANY),
            pl.BlockSpec(memory_space=pl.ANY),
            pl.BlockSpec(memory_space=pl.ANY),
            pl.BlockSpec(memory_space=pl.ANY),
        ],
        out_specs=pl.BlockSpec((_BT, _H), lambda g, s: (g, 0)),
        scratch_shapes=[
            pltpu.VMEM((2, _H, _F), jnp.float32),
            pltpu.VMEM((2, _F, _H), jnp.float32),
            pltpu.VMEM((2, 1, _F), jnp.float32),
            pltpu.VMEM((2, 1, _H), jnp.float32),
            pltpu.SemaphoreType.DMA((2,)),
            pltpu.SemaphoreType.DMA((2,)),
            pltpu.SemaphoreType.DMA((2,)),
            pltpu.SemaphoreType.DMA((2,)),
            pltpu.SMEM((1,), jnp.int32),
        ],
    )
    return pl.pallas_call(
        _gmm_body,
        grid_spec=grid_spec,
        out_shape=jax.ShapeDtypeStruct((_P, _H), jnp.float32),
        compiler_params=pltpu.CompilerParams(
            dimension_semantics=("arbitrary",),
        ),
    )(meta, xs, w1, b1.reshape(_E, 1, _F), w2, b2.reshape(_E, 1, _H))


def _cgather_body(ys_hbm, pos_hbm, ys2_hbm, rows0_v, rows1_v, idx0_v, idx1_v, sem):
    wid = lax.axis_index("s") * _NC + lax.axis_index("c")
    tbase = wid * _CHUNK
    ld0 = pltpu.async_copy(pos_hbm.at[pl.ds(tbase, _CHUNK)], idx0_v, sem)
    ld1 = pltpu.async_copy(pos_hbm.at[pl.ds(_T + tbase, _CHUNK)], idx1_v, sem)
    ld0.wait()
    ld1.wait()
    cp0 = pltpu.async_copy(ys_hbm.at[idx0_v], rows0_v, sem)
    cp1 = pltpu.async_copy(ys_hbm.at[idx1_v], rows1_v, sem)
    cp0.wait()
    cp1.wait()
    st0 = pltpu.async_copy(rows0_v, ys2_hbm.at[pl.ds(tbase, _CHUNK)], sem)
    st1 = pltpu.async_copy(rows1_v, ys2_hbm.at[pl.ds(_T + tbase, _CHUNK)], sem)
    st0.wait()
    st1.wait()


def _cgather(ys, pos):
    return pl.kernel(
        _cgather_body,
        mesh=plsc.VectorSubcoreMesh(core_axis_name="c", subcore_axis_name="s"),
        out_type=jax.ShapeDtypeStruct((2 * _T, _H), jnp.float32),
        scratch_types=[
            pltpu.VMEM((_CHUNK, _H), jnp.float32),
            pltpu.VMEM((_CHUNK, _H), jnp.float32),
            pltpu.VMEM((_CHUNK,), jnp.int32),
            pltpu.VMEM((_CHUNK,), jnp.int32),
            pltpu.SemaphoreType.DMA,
        ],
    )(ys, pos)


def _combine_body(ys2_ref, wts_ref, o_ref):
    w = wts_ref[...]
    o_ref[...] = ys2_ref[0] * w[0] + ys2_ref[1] * w[1]


def _combine(ys2, wts):
    tb = 512
    return pl.pallas_call(
        _combine_body,
        grid=(_T // tb,),
        in_specs=[
            pl.BlockSpec((2, tb, _H), lambda i: (0, i, 0)),
            pl.BlockSpec((2, tb, 1), lambda i: (0, i, 0)),
        ],
        out_specs=pl.BlockSpec((tb, _H), lambda i: (i, 0)),
        out_shape=jax.ShapeDtypeStruct((_T, _H), jnp.float32),
    )(ys2, wts)


def kernel(x, router_w, router_b, w1, b1, w2, b2):
    B, S, H = x.shape
    xf = x.reshape(_T, _H)
    pos2, wts2, meta = _router(xf, router_w, router_b)
    pos = pos2.reshape(2 * _T)
    xs = _dispatch(xf, pos)
    ys = _gmm(meta, xs, w1, b1, w2, b2)
    ys2 = _cgather(ys, pos)
    out = _combine(ys2.reshape(2, _T, _H), wts2.reshape(2, _T, 1))
    return out.reshape(B, S, H)

# --- scband reference (transcript-rebuilt; emitter-appended) ---
"""Pipeline reference for scband-mo-elayer-11003706213000 (READ-ONLY COPY).

The authoritative reference and input builder live on the scoring server;
editing this copy changes nothing except your own understanding.
"""

import jax, jax.numpy as jnp
import numpy as np

HIDDEN = 768
NUM_EXPERTS = 8
TOP_K = 2
D_FF = HIDDEN * 2


def setup_inputs(seed: int = 0) -> dict:
    key = jax.random.key(seed)
    ks = jax.random.split(key, 8)
    x = jax.random.normal(ks[0], (1, 2048, HIDDEN), dtype=jnp.float32)
    router_w = jax.random.normal(ks[1], (HIDDEN, NUM_EXPERTS), dtype=jnp.float32) * 0.02
    router_b = jnp.zeros((NUM_EXPERTS,), dtype=jnp.float32)
    w1 = jax.random.normal(ks[2], (NUM_EXPERTS, HIDDEN, D_FF), dtype=jnp.float32) * 0.02
    b1 = jnp.zeros((NUM_EXPERTS, D_FF), dtype=jnp.float32)
    w2 = jax.random.normal(ks[3], (NUM_EXPERTS, D_FF, HIDDEN), dtype=jnp.float32) * 0.02
    b2 = jnp.zeros((NUM_EXPERTS, HIDDEN), dtype=jnp.float32)
    return {"x": x, "router_w": router_w, "router_b": router_b, "w1": w1, "b1": b1, "w2": w2, "b2": b2}


def reference(x, router_w, router_b, w1, b1, w2, b2):
    B, S, H = x.shape
    xf = x.reshape(-1, H)  # [T, H]
    router_logits = xf @ router_w + router_b  # [T, E]
    router_probs = jax.nn.softmax(router_logits, axis=-1)
    top_k_probs, top_k_indices = jax.lax.top_k(router_probs, TOP_K)  # [T, k]
    top_k_probs = top_k_probs / jnp.sum(top_k_probs, axis=-1, keepdims=True)
    # per-expert per-token combine weight: sum of normalized probs where index == expert, else 0
    onehot = jax.nn.one_hot(top_k_indices, NUM_EXPERTS, dtype=xf.dtype)  # [T, k, E]
    expert_weight = jnp.sum(top_k_probs[..., None] * onehot, axis=1)  # [T, E]
    # dense expert compute (mathematically equivalent to masked gather/scatter in the torch code)
    h = jnp.einsum('th,ehf->etf', xf, w1) + b1[:, None, :]  # [E, T, F]
    h = jax.nn.relu(h)
    eo = jnp.einsum('etf,efh->eth', h, w2) + b2[:, None, :]  # [E, T, H]
    out = jnp.sum(eo * expert_weight.T[:, :, None], axis=0)  # [T, H]
    return out.reshape(B, S, H)

if __name__ == "__main__":
    import jax
    _d = setup_inputs()
    print(jax.jit(kernel)(*tuple(_d.values())))

</pallas_src>

<mosaic_0001>
#map = affine_map<(d0, d1) -> (0, 0)>
#map1 = affine_map<(d0, d1) -> (0)>
module attributes {stable_mosaic.version = 14 : i64} {
  func.func @_cgather_body(%arg0: i32, %arg1: i32, %arg2: memref<6144x768xf32, #tpu.memory_space<hbm>>, %arg3: memref<4096xi32, #tpu.memory_space<hbm>>, %arg4: memref<4096x768xf32, #tpu.memory_space<hbm>>, %arg5: memref<64x768xf32, #tpu.memory_space<vmem>>, %arg6: memref<64x768xf32, #tpu.memory_space<vmem>>, %arg7: memref<64xi32, #tpu.memory_space<vmem>>, %arg8: memref<64xi32, #tpu.memory_space<vmem>>, %arg9: memref<!tpu.dma_semaphore, #tpu.memory_space<semaphore_mem>>) attributes {dimension_semantics = [#tpu.dimension_semantics<core_parallel>, #tpu.dimension_semantics<subcore_parallel>], iteration_bounds = array<i64: 2, 16>, scalar_prefetch = 0 : i64, scratch_operands = 5 : i64, tpu.core_type = #tpu.core_type<sc_vector_subcore>, window_params = [{transform_indices = #map}, {transform_indices = #map1}, {transform_indices = #map}]} {
    %mul3A = arith.constant 2 : i32
    %mul3A_0 = arith.muli %arg1, %mul3A : i32
    %add3A = arith.addi %mul3A_0, %arg0 : i32
    %mul3A_1 = arith.constant 64 : i32
    %mul3A_2 = arith.muli %add3A, %mul3A_1 : i32
    %dma_start3A = tpu.memref_slice %arg3[%mul3A_2] : memref<4096xi32, #tpu.memory_space<hbm>> -> memref<64xi32, #tpu.memory_space<hbm>>
    %dma_start3A_3 = tpu.memref_slice %arg3[%mul3A_2] : memref<4096xi32, #tpu.memory_space<hbm>> -> memref<64xi32, #tpu.memory_space<hbm>>
    tpu.enqueue_dma source(%dma_start3A_3 : memref<64xi32, #tpu.memory_space<hbm>>) target(%arg7 : memref<64xi32, #tpu.memory_space<vmem>>) target_semaphore(%arg9 : memref<!tpu.dma_semaphore, #tpu.memory_space<semaphore_mem>>)
    %add3A_4 = arith.constant 2048 : i32
    %add3A_5 = arith.addi %add3A_4, %mul3A_2 : i32
    %dma_start3A_6 = tpu.memref_slice %arg3[%add3A_5] : memref<4096xi32, #tpu.memory_space<hbm>> -> memref<64xi32, #tpu.memory_space<hbm>>
    %dma_start3A_7 = tpu.memref_slice %arg3[%add3A_5] : memref<4096xi32, #tpu.memory_space<hbm>> -> memref<64xi32, #tpu.memory_space<hbm>>
    tpu.enqueue_dma source(%dma_start3A_7 : memref<64xi32, #tpu.memory_space<hbm>>) target(%arg8 : memref<64xi32, #tpu.memory_space<vmem>>) target_semaphore(%arg9 : memref<!tpu.dma_semaphore, #tpu.memory_space<semaphore_mem>>)
    %dma_wait3A = tpu.memref_slice %arg3[%mul3A_2] : memref<4096xi32, #tpu.memory_space<hbm>> -> memref<64xi32, #tpu.memory_space<hbm>>
    %dma_wait3A_8 = tpu.memref_slice %arg3[%mul3A_2] : memref<4096xi32, #tpu.memory_space<hbm>> -> memref<64xi32, #tpu.memory_space<hbm>>
    tpu.wait_dma2 semaphore(%arg9 : memref<!tpu.dma_semaphore, #tpu.memory_space<semaphore_mem>>) src(%dma_wait3A_8 : memref<64xi32, #tpu.memory_space<hbm>>) dst(%arg7 : memref<64xi32, #tpu.memory_space<vmem>>)
    %dma_wait3A_9 = tpu.memref_slice %arg3[%add3A_5] : memref<4096xi32, #tpu.memory_space<hbm>> -> memref<64xi32, #tpu.memory_space<hbm>>
    %dma_wait3A_10 = tpu.memref_slice %arg3[%add3A_5] : memref<4096xi32, #tpu.memory_space<hbm>> -> memref<64xi32, #tpu.memory_space<hbm>>
    tpu.wait_dma2 semaphore(%arg9 : memref<!tpu.dma_semaphore, #tpu.memory_space<semaphore_mem>>) src(%dma_wait3A_10 : memref<64xi32, #tpu.memory_space<hbm>>) dst(%arg8 : memref<64xi32, #tpu.memory_space<vmem>>)
    %dma_start3A_11 = arith.constant 0 : i32
    %dma_start3A_12 = arith.constant 0 : i32
    %dma_start3A_13 = tpu.memref_slice %arg2[%dma_start3A_11, %dma_start3A_12] : memref<6144x768xf32, #tpu.memory_space<hbm>> -> memref<6144x768xf32, #tpu.memory_space<hbm>>
    tpu.enqueue_indirect_dma source(%dma_start3A_13 : memref<6144x768xf32, #tpu.memory_space<hbm>>) target(%arg5 : memref<64x768xf32, #tpu.memory_space<vmem>>) offsets(%arg7 : memref<64xi32, #tpu.memory_space<vmem>>) semaphore(%arg9 : memref<!tpu.dma_semaphore, #tpu.memory_space<semaphore_mem>>)
    %dma_start3A_14 = arith.constant 0 : i32
    %dma_start3A_15 = arith.constant 0 : i32
    %dma_start3A_16 = tpu.memref_slice %arg2[%dma_start3A_14, %dma_start3A_15] : memref<6144x768xf32, #tpu.memory_space<hbm>> -> memref<6144x768xf32, #tpu.memory_space<hbm>>
    tpu.enqueue_indirect_dma source(%dma_start3A_16 : memref<6144x768xf32, #tpu.memory_space<hbm>>) target(%arg6 : memref<64x768xf32, #tpu.memory_space<vmem>>) offsets(%arg8 : memref<64xi32, #tpu.memory_space<vmem>>) semaphore(%arg9 : memref<!tpu.dma_semaphore, #tpu.memory_space<semaphore_mem>>)
    %dma_wait3A_17 = arith.constant 0 : i32
    %dma_wait3A_18 = arith.constant 0 : i32
    %dma_wait3A_19 = tpu.memref_slice %arg2[%dma_wait3A_17, %dma_wait3A_18] : memref<6144x768xf32, #tpu.memory_space<hbm>> -> memref<6144x768xf32, #tpu.memory_space<hbm>>
    tpu.wait_indirect_dma semaphore(%arg9 : memref<!tpu.dma_semaphore, #tpu.memory_space<semaphore_mem>>) src(%dma_wait3A_19 : memref<6144x768xf32, #tpu.memory_space<hbm>>) dst(%arg5 : memref<64x768xf32, #tpu.memory_space<vmem>>)
    %dma_wait3A_20 = arith.constant 0 : i32
    %dma_wait3A_21 = arith.constant 0 : i32
    %dma_wait3A_22 = tpu.memref_slice %arg2[%dma_wait3A_20, %dma_wait3A_21] : memref<6144x768xf32, #tpu.memory_space<hbm>> -> memref<6144x768xf32, #tpu.memory_space<hbm>>
    tpu.wait_indirect_dma semaphore(%arg9 : memref<!tpu.dma_semaphore, #tpu.memory_space<semaphore_mem>>) src(%dma_wait3A_22 : memref<6144x768xf32, #tpu.memory_space<hbm>>) dst(%arg6 : memref<64x768xf32, #tpu.memory_space<vmem>>)
    %dma_start3A_23 = arith.constant 0 : i32
    %dma_start3A_24 = tpu.memref_slice %arg4[%mul3A_2, %dma_start3A_23] : memref<4096x768xf32, #tpu.memory_space<hbm>> -> memref<64x768xf32, #tpu.memory_space<hbm>>
    %dma_start3A_25 = arith.constant 0 : i32
    %dma_start3A_26 = tpu.memref_slice %arg4[%mul3A_2, %dma_start3A_25] : memref<4096x768xf32, #tpu.memory_space<hbm>> -> memref<64x768xf32, #tpu.memory_space<hbm>>
    tpu.enqueue_dma source(%arg5 : memref<64x768xf32, #tpu.memory_space<vmem>>) target(%dma_start3A_26 : memref<64x768xf32, #tpu.memory_space<hbm>>) target_semaphore(%arg9 : memref<!tpu.dma_semaphore, #tpu.memory_space<semaphore_mem>>)
    %add3A_27 = arith.constant 2048 : i32
    %add3A_28 = arith.addi %add3A_27, %mul3A_2 : i32
    %dma_start3A_29 = arith.constant 0 : i32
    %dma_start3A_30 = tpu.memref_slice %arg4[%add3A_28, %dma_start3A_29] : memref<4096x768xf32, #tpu.memory_space<hbm>> -> memref<64x768xf32, #tpu.memory_space<hbm>>
    %dma_start3A_31 = arith.constant 0 : i32
    %dma_start3A_32 = tpu.memref_slice %arg4[%add3A_28, %dma_start3A_31] : memref<4096x768xf32, #tpu.memory_space<hbm>> -> memref<64x768xf32, #tpu.memory_space<hbm>>
    tpu.enqueue_dma source(%arg6 : memref<64x768xf32, #tpu.memory_space<vmem>>) target(%dma_start3A_32 : memref<64x768xf32, #tpu.memory_space<hbm>>) target_semaphore(%arg9 : memref<!tpu.dma_semaphore, #tpu.memory_space<semaphore_mem>>)
    %dma_wait3A_33 = arith.constant 0 : i32
    %dma_wait3A_34 = tpu.memref_slice %arg4[%mul3A_2, %dma_wait3A_33] : memref<4096x768xf32, #tpu.memory_space<hbm>> -> memref<64x768xf32, #tpu.memory_space<hbm>>
    %dma_wait3A_35 = arith.constant 0 : i32
    %dma_wait3A_36 = tpu.memref_slice %arg4[%mul3A_2, %dma_wait3A_35] : memref<4096x768xf32, #tpu.memory_space<hbm>> -> memref<64x768xf32, #tpu.memory_space<hbm>>
    tpu.wait_dma2 semaphore(%arg9 : memref<!tpu.dma_semaphore, #tpu.memory_space<semaphore_mem>>) src(%arg5 : memref<64x768xf32, #tpu.memory_space<vmem>>) dst(%dma_wait3A_36 : memref<64x768xf32, #tpu.memory_space<hbm>>)
    %dma_wait3A_37 = arith.constant 0 : i32
    %dma_wait3A_38 = tpu.memref_slice %arg4[%add3A_28, %dma_wait3A_37] : memref<4096x768xf32, #tpu.memory_space<hbm>> -> memref<64x768xf32, #tpu.memory_space<hbm>>
    %dma_wait3A_39 = arith.constant 0 : i32
    %dma_wait3A_40 = tpu.memref_slice %arg4[%add3A_28, %dma_wait3A_39] : memref<4096x768xf32, #tpu.memory_space<hbm>> -> memref<64x768xf32, #tpu.memory_space<hbm>>
    tpu.wait_dma2 semaphore(%arg9 : memref<!tpu.dma_semaphore, #tpu.memory_space<semaphore_mem>>) src(%arg6 : memref<64x768xf32, #tpu.memory_space<vmem>>) dst(%dma_wait3A_40 : memref<64x768xf32, #tpu.memory_space<hbm>>)
    return
  }
}

#map = affine_map<(d0, d1) -> (0, 0)>
#map1 = affine_map<(d0, d1) -> (0)>
module attributes {stable_mosaic.version = 14 : i64} {
  func.func @_dispatch_body(%arg0: i32, %arg1: i32, %arg2: memref<2048x768xf32, #tpu.memory_space<hbm>>, %arg3: memref<4096xi32, #tpu.memory_space<hbm>>, %arg4: memref<6144x768xf32, #tpu.memory_space<hbm>>, %arg5: memref<64x768xf32, #tpu.memory_space<vmem>>, %arg6: memref<64xi32, #tpu.memory_space<vmem>>, %arg7: memref<64xi32, #tpu.memory_space<vmem>>, %arg8: memref<!tpu.dma_semaphore, #tpu.memory_space<semaphore_mem>>) attributes {dimension_semantics = [#tpu.dimension_semantics<core_parallel>, #tpu.dimension_semantics<subcore_parallel>], iteration_bounds = array<i64: 2, 16>, scalar_prefetch = 0 : i64, scratch_operands = 4 : i64, tpu.core_type = #tpu.core_type<sc_vector_subcore>, window_params = [{transform_indices = #map}, {transform_indices = #map1}, {transform_indices = #map}]} {
    %mul3A = arith.constant 2 : i32
    %mul3A_0 = arith.muli %arg1, %mul3A : i32
    %add3A = arith.addi %mul3A_0, %arg0 : i32
    %mul3A_1 = arith.constant 64 : i32
    %mul3A_2 = arith.muli %add3A, %mul3A_1 : i32
    %dma_start3A = arith.constant 0 : i32
    %dma_start3A_3 = tpu.memref_slice %arg2[%mul3A_2, %dma_start3A] : memref<2048x768xf32, #tpu.memory_space<hbm>> -> memref<64x768xf32, #tpu.memory_space<hbm>>
    %dma_start3A_4 = arith.constant 0 : i32
    %dma_start3A_5 = tpu.memref_slice %arg2[%mul3A_2, %dma_start3A_4] : memref<2048x768xf32, #tpu.memory_space<hbm>> -> memref<64x768xf32, #tpu.memory_space<hbm>>
    tpu.enqueue_dma source(%dma_start3A_5 : memref<64x768xf32, #tpu.memory_space<hbm>>) target(%arg5 : memref<64x768xf32, #tpu.memory_space<vmem>>) target_semaphore(%arg8 : memref<!tpu.dma_semaphore, #tpu.memory_space<semaphore_mem>>)
    %dma_start3A_6 = tpu.memref_slice %arg3[%mul3A_2] : memref<4096xi32, #tpu.memory_space<hbm>> -> memref<64xi32, #tpu.memory_space<hbm>>
    %dma_start3A_7 = tpu.memref_slice %arg3[%mul3A_2] : memref<4096xi32, #tpu.memory_space<hbm>> -> memref<64xi32, #tpu.memory_space<hbm>>
    tpu.enqueue_dma source(%dma_start3A_7 : memref<64xi32, #tpu.memory_space<hbm>>) target(%arg6 : memref<64xi32, #tpu.memory_space<vmem>>) target_semaphore(%arg8 : memref<!tpu.dma_semaphore, #tpu.memory_space<semaphore_mem>>)
    %add3A_8 = arith.constant 2048 : i32
    %add3A_9 = arith.addi %add3A_8, %mul3A_2 : i32
    %dma_start3A_10 = tpu.memref_slice %arg3[%add3A_9] : memref<4096xi32, #tpu.memory_space<hbm>> -> memref<64xi32, #tpu.memory_space<hbm>>
    %dma_start3A_11 = tpu.memref_slice %arg3[%add3A_9] : memref<4096xi32, #tpu.memory_space<hbm>> -> memref<64xi32, #tpu.memory_space<hbm>>
    tpu.enqueue_dma source(%dma_start3A_11 : memref<64xi32, #tpu.memory_space<hbm>>) target(%arg7 : memref<64xi32, #tpu.memory_space<vmem>>) target_semaphore(%arg8 : memref<!tpu.dma_semaphore, #tpu.memory_space<semaphore_mem>>)
    %dma_wait3A = arith.constant 0 : i32
    %dma_wait3A_12 = tpu.memref_slice %arg2[%mul3A_2, %dma_wait3A] : memref<2048x768xf32, #tpu.memory_space<hbm>> -> memref<64x768xf32, #tpu.memory_space<hbm>>
    %dma_wait3A_13 = arith.constant 0 : i32
    %dma_wait3A_14 = tpu.memref_slice %arg2[%mul3A_2, %dma_wait3A_13] : memref<2048x768xf32, #tpu.memory_space<hbm>> -> memref<64x768xf32, #tpu.memory_space<hbm>>
    tpu.wait_dma2 semaphore(%arg8 : memref<!tpu.dma_semaphore, #tpu.memory_space<semaphore_mem>>) src(%dma_wait3A_14 : memref<64x768xf32, #tpu.memory_space<hbm>>) dst(%arg5 : memref<64x768xf32, #tpu.memory_space<vmem>>)
    %dma_wait3A_15 = tpu.memref_slice %arg3[%mul3A_2] : memref<4096xi32, #tpu.memory_space<hbm>> -> memref<64xi32, #tpu.memory_space<hbm>>
    %dma_wait3A_16 = tpu.memref_slice %arg3[%mul3A_2] : memref<4096xi32, #tpu.memory_space<hbm>> -> memref<64xi32, #tpu.memory_space<hbm>>
    tpu.wait_dma2 semaphore(%arg8 : memref<!tpu.dma_semaphore, #tpu.memory_space<semaphore_mem>>) src(%dma_wait3A_16 : memref<64xi32, #tpu.memory_space<hbm>>) dst(%arg6 : memref<64xi32, #tpu.memory_space<vmem>>)
    %dma_wait3A_17 = tpu.memref_slice %arg3[%add3A_9] : memref<4096xi32, #tpu.memory_space<hbm>> -> memref<64xi32, #tpu.memory_space<hbm>>
    %dma_wait3A_18 = tpu.memref_slice %arg3[%add3A_9] : memref<4096xi32, #tpu.memory_space<hbm>> -> memref<64xi32, #tpu.memory_space<hbm>>
    tpu.wait_dma2 semaphore(%arg8 : memref<!tpu.dma_semaphore, #tpu.memory_space<semaphore_mem>>) src(%dma_wait3A_18 : memref<64xi32, #tpu.memory_space<hbm>>) dst(%arg7 : memref<64xi32, #tpu.memory_space<vmem>>)
    %dma_start3A_19 = arith.constant 0 : i32
    %dma_start3A_20 = arith.constant 0 : i32
    %dma_start3A_21 = tpu.memref_slice %arg4[%dma_start3A_19, %dma_start3A_20] : memref<6144x768xf32, #tpu.memory_space<hbm>> -> memref<6144x768xf32, #tpu.memory_space<hbm>>
    tpu.enqueue_indirect_dma source(%arg5 : memref<64x768xf32, #tpu.memory_space<vmem>>) target(%dma_start3A_21 : memref<6144x768xf32, #tpu.memory_space<hbm>>) offsets(%arg6 : memref<64xi32, #tpu.memory_space<vmem>>) semaphore(%arg8 : memref<!tpu.dma_semaphore, #tpu.memory_space<semaphore_mem>>)
    %dma_start3A_22 = arith.constant 0 : i32
    %dma_start3A_23 = arith.constant 0 : i32
    %dma_start3A_24 = tpu.memref_slice %arg4[%dma_start3A_22, %dma_start3A_23] : memref<6144x768xf32, #tpu.memory_space<hbm>> -> memref<6144x768xf32, #tpu.memory_space<hbm>>
    tpu.enqueue_indirect_dma source(%arg5 : memref<64x768xf32, #tpu.memory_space<vmem>>) target(%dma_start3A_24 : memref<6144x768xf32, #tpu.memory_space<hbm>>) offsets(%arg7 : memref<64xi32, #tpu.memory_space<vmem>>) semaphore(%arg8 : memref<!tpu.dma_semaphore, #tpu.memory_space<semaphore_mem>>)
    %dma_wait3A_25 = arith.constant 0 : i32
    %dma_wait3A_26 = arith.constant 0 : i32
    %dma_wait3A_27 = tpu.memref_slice %arg4[%dma_wait3A_25, %dma_wait3A_26] : memref<6144x768xf32, #tpu.memory_space<hbm>> -> memref<6144x768xf32, #tpu.memory_space<hbm>>
    tpu.wait_indirect_dma semaphore(%arg8 : memref<!tpu.dma_semaphore, #tpu.memory_space<semaphore_mem>>) src(%arg5 : memref<64x768xf32, #tpu.memory_space<vmem>>) dst(%dma_wait3A_27 : memref<6144x768xf32, #tpu.memory_space<hbm>>)
    %dma_wait3A_28 = arith.constant 0 : i32
    %dma_wait3A_29 = arith.constant 0 : i32
    %dma_wait3A_30 = tpu.memref_slice %arg4[%dma_wait3A_28, %dma_wait3A_29] : memref<6144x768xf32, #tpu.memory_space<hbm>> -> memref<6144x768xf32, #tpu.memory_space<hbm>>
    tpu.wait_indirect_dma semaphore(%arg8 : memref<!tpu.dma_semaphore, #tpu.memory_space<semaphore_mem>>) src(%arg5 : memref<64x768xf32, #tpu.memory_space<vmem>>) dst(%dma_wait3A_30 : memref<6144x768xf32, #tpu.memory_space<hbm>>)
    return
  }
}

module attributes {stable_mosaic.version = 14 : i64} {
  func.func @_router_body(%arg0: i32, %arg1: memref<2048x768xf32, #tpu.memory_space<vmem>>, %arg2: memref<768x8xf32, #tpu.memory_space<vmem>>, %arg3: memref<8xf32, #tpu.memory_space<vmem>>, %arg4: memref<2x2048xi32, #tpu.memory_space<vmem>>, %arg5: memref<2x2048xf32, #tpu.memory_space<vmem>>, %arg6: memref<1x64xi32, #tpu.memory_space<vmem>>) attributes {dimension_semantics = [#tpu.dimension_semantics<arbitrary>], iteration_bounds = array<i64: 1>, scalar_prefetch = 0 : i64, scratch_operands = 0 : i64, tpu.core_type = #tpu.core_type<tc>, window_params = [{pipeline_mode = #tpu.pipeline_mode<synchronous>, transform_indices = @transform_0, window_bounds = array<i64: 2048, 768>}, {pipeline_mode = #tpu.pipeline_mode<synchronous>, transform_indices = @transform_1, window_bounds = array<i64: 768, 8>}, {pipeline_mode = #tpu.pipeline_mode<synchronous>, transform_indices = @transform_2, window_bounds = array<i64: 8>}, {pipeline_mode = #tpu.pipeline_mode<synchronous>, transform_indices = @transform_3, window_bounds = array<i64: 2, 2048>}, {pipeline_mode = #tpu.pipeline_mode<synchronous>, transform_indices = @transform_4, window_bounds = array<i64: 2, 2048>}, {pipeline_mode = #tpu.pipeline_mode<synchronous>, transform_indices = @transform_5, window_bounds = array<i64: 1, 64>}]} {
    %get3A = arith.constant 0 : index
    %get3A_0 = arith.constant 0 : index
    %get3A_1 = vector.load %arg1[%get3A, %get3A_0] : memref<2048x768xf32, #tpu.memory_space<vmem>>, vector<2048x768xf32>
    %get3A_2 = arith.constant 0 : index
    %get3A_3 = arith.constant 0 : index
    %get3A_4 = vector.load %arg2[%get3A_2, %get3A_3] : memref<768x8xf32, #tpu.memory_space<vmem>>, vector<768x8xf32>
    %dot_general3A = arith.constant dense<0.000000e+00> : vector<2048x8xf32>
    %dot_general3A_5 = tpu.matmul %get3A_1, %get3A_4, %dot_general3A {dimension_numbers = #tpu.dot_dimension_numbers<[1], [0], [0], [1], [0, 0, 1, 1], [], []>, transpose_lhs_hint = false} : vector<2048x768xf32>, vector<768x8xf32>, vector<2048x8xf32> -> vector<2048x8xf32>
    %get3A_6 = arith.constant 0 : index
    %get3A_7 = vector.load %arg3[%get3A_6] : memref<8xf32, #tpu.memory_space<vmem>>, vector<8xf32>
    %broadcast_in_dim3A = vector.shape_cast %get3A_7 : vector<8xf32> to vector<1x8xf32>
    %add3A = vector.broadcast %broadcast_in_dim3A : vector<1x8xf32> to vector<2048x8xf32>
    %add3A_8 = arith.addf %dot_general3A_5, %add3A : vector<2048x8xf32>
    %iota3A = tpu.iota {dimensions = array<i32: 1>} : vector<2048x8xi32>
    %reduce_max3A = arith.constant dense<0xFF800000> : vector<2048xf32>
    %reduce_max3A_9 = vector.multi_reduction <maximumf>, %add3A_8, %reduce_max3A [1] : vector<2048x8xf32> to vector<2048xf32>
    %broadcast_in_dim3A_10 = vector.shape_cast %reduce_max3A_9 : vector<2048xf32> to vector<2048x1xf32>
    %eq3A = vector.broadcast %broadcast_in_dim3A_10 : vector<2048x1xf32> to vector<2048x8xf32>
    %eq3A_11 = arith.cmpf oeq, %add3A_8, %eq3A : vector<2048x8xf32>
    %jit3A = arith.constant 8 : i32
    %broadcast_in_dim3A_12 = vector.broadcast %jit3A : i32 to vector<2048x8xi32>
    %select_n3A = arith.select %eq3A_11, %iota3A, %broadcast_in_dim3A_12 : vector<2048x8xi1>, vector<2048x8xi32>
    %reduce_min3A = arith.constant dense<2147483647> : vector<2048xi32>
    %reduce_min3A_13 = vector.multi_reduction <minsi>, %select_n3A, %reduce_min3A [1] : vector<2048x8xi32> to vector<2048xi32>
    %broadcast_in_dim3A_14 = vector.shape_cast %reduce_min3A_13 : vector<2048xi32> to vector<2048x1xi32>
    %eq3A_15 = vector.broadcast %broadcast_in_dim3A_14 : vector<2048x1xi32> to vector<2048x8xi32>
    %eq3A_16 = arith.cmpi eq, %iota3A, %eq3A_15 : vector<2048x8xi32>
    %jit3A_17 = arith.constant 0xFF800000 : f32
    %broadcast_in_dim3A_18 = vector.broadcast %jit3A_17 : f32 to vector<2048x8xf32>
    %select_n3A_19 = arith.select %eq3A_16, %broadcast_in_dim3A_18, %add3A_8 : vector<2048x8xi1>, vector<2048x8xf32>
    %reduce_max3A_20 = arith.constant dense<0xFF800000> : vector<2048xf32>
    %reduce_max3A_21 = vector.multi_reduction <maximumf>, %select_n3A_19, %reduce_max3A_20 [1] : vector<2048x8xf32> to vector<2048xf32>
    %broadcast_in_dim3A_22 = vector.shape_cast %reduce_max3A_21 : vector<2048xf32> to vector<2048x1xf32>
    %eq3A_23 = vector.broadcast %broadcast_in_dim3A_22 : vector<2048x1xf32> to vector<2048x8xf32>
    %eq3A_24 = arith.cmpf oeq, %select_n3A_19, %eq3A_23 : vector<2048x8xf32>
    %jit3A_25 = arith.constant 8 : i32
    %broadcast_in_dim3A_26 = vector.broadcast %jit3A_25 : i32 to vector<2048x8xi32>
    %select_n3A_27 = arith.select %eq3A_24, %iota3A, %broadcast_in_dim3A_26 : vector<2048x8xi1>, vector<2048x8xi32>
    %reduce_min3A_28 = arith.constant dense<2147483647> : vector<2048xi32>
    %reduce_min3A_29 = vector.multi_reduction <minsi>, %select_n3A_27, %reduce_min3A_28 [1] : vector<2048x8xi32> to vector<2048xi32>
    %broadcast_in_dim3A_30 = vector.shape_cast %reduce_min3A_29 : vector<2048xi32> to vector<2048x1xi32>
    %sub3A = arith.subf %broadcast_in_dim3A_22, %broadcast_in_dim3A_10 : vector<2048x1xf32>
    %exp3A = math.exp %sub3A : vector<2048x1xf32>
    %add3A_31 = arith.constant 1.000000e+00 : f32
    %add3A_32 = vector.broadcast %add3A_31 : f32 to vector<2048x1xf32>
    %add3A_33 = arith.addf %add3A_32, %exp3A : vector<2048x1xf32>
    %div3A = arith.constant 1.000000e+00 : f32
    %div3A_34 = vector.broadcast %div3A : f32 to vector<2048x1xf32>
    %div3A_35 = arith.divf %div3A_34, %add3A_33 : vector<2048x1xf32>
    %add3A_36 = arith.constant 1.000000e+00 : f32
    %add3A_37 = vector.broadcast %add3A_36 : f32 to vector<2048x1xf32>
    %add3A_38 = arith.addf %add3A_37, %exp3A : vector<2048x1xf32>
    %div3A_39 = arith.divf %exp3A, %add3A_38 : vector<2048x1xf32>
    %eq3A_40 = vector.broadcast %broadcast_in_dim3A_14 : vector<2048x1xi32> to vector<2048x8xi32>
    %eq3A_41 = arith.cmpi eq, %iota3A, %eq3A_40 : vector<2048x8xi32>
    %convert_element_type3A = arith.extui %eq3A_41 : vector<2048x8xi1> to vector<2048x8xi32>
    %convert_element_type3A_42 = arith.sitofp %convert_element_type3A : vector<2048x8xi32> to vector<2048x8xf32>
    %eq3A_43 = vector.broadcast %broadcast_in_dim3A_30 : vector<2048x1xi32> to vector<2048x8xi32>
    %eq3A_44 = arith.cmpi eq, %iota3A, %eq3A_43 : vector<2048x8xi32>
    %convert_element_type3A_45 = arith.extui %eq3A_44 : vector<2048x8xi1> to vector<2048x8xi32>
    %convert_element_type3A_46 = arith.sitofp %convert_element_type3A_45 : vector<2048x8xi32> to vector<2048x8xf32>
    %add3A_47 = arith.addf %convert_element_type3A_42, %convert_element_type3A_46 : vector<2048x8xf32>
    %broadcast_in_dim3A_48 = arith.constant 0.000000e+00 : f32
    %broadcast_in_dim3A_49 = vector.broadcast %broadcast_in_dim3A_48 : f32 to vector<1x8xf32>
    %slice3A = vector.extract_strided_slice %add3A_47 {offsets = [0, 0], sizes = [2047, 8], strides = [1, 1]} : vector<2048x8xf32> to vector<2047x8xf32>
    %concatenate3A = tpu.concatenate %broadcast_in_dim3A_49, %slice3A in 0 : vector<1x8xf32>, vector<2047x8xf32> -> vector<2048x8xf32>
    %add3A_50 = arith.addf %add3A_47, %concatenate3A : vector<2048x8xf32>
    %broadcast_in_dim3A_51 = arith.constant 0.000000e+00 : f32
    %broadcast_in_dim3A_52 = vector.broadcast %broadcast_in_dim3A_51 : f32 to vector<2x8xf32>
    %slice3A_53 = vector.extract_strided_slice %add3A_50 {offsets = [0, 0], sizes = [2046, 8], strides = [1, 1]} : vector<2048x8xf32> to vector<2046x8xf32>
    %concatenate3A_54 = tpu.concatenate %broadcast_in_dim3A_52, %slice3A_53 in 0 : vector<2x8xf32>, vector<2046x8xf32> -> vector<2048x8xf32>
    %add3A_55 = arith.addf %add3A_50, %concatenate3A_54 : vector<2048x8xf32>
    %broadcast_in_dim3A_56 = arith.constant 0.000000e+00 : f32
    %broadcast_in_dim3A_57 = vector.broadcast %broadcast_in_dim3A_56 : f32 to vector<4x8xf32>
    %slice3A_58 = vector.extract_strided_slice %add3A_55 {offsets = [0, 0], sizes = [2044, 8], strides = [1, 1]} : vector<2048x8xf32> to vector<2044x8xf32>
    %concatenate3A_59 = tpu.concatenate %broadcast_in_dim3A_57, %slice3A_58 in 0 : vector<4x8xf32>, vector<2044x8xf32> -> vector<2048x8xf32>
    %add3A_60 = arith.addf %add3A_55, %concatenate3A_59 : vector<2048x8xf32>
    %broadcast_in_dim3A_61 = arith.constant 0.000000e+00 : f32
    %broadcast_in_dim3A_62 = vector.broadcast %broadcast_in_dim3A_61 : f32 to vector<8x8xf32>
    %slice3A_63 = vector.extract_strided_slice %add3A_60 {offsets = [0, 0], sizes = [2040, 8], strides = [1, 1]} : vector<2048x8xf32> to vector<2040x8xf32>
    %concatenate3A_64 = tpu.concatenate %broadcast_in_dim3A_62, %slice3A_63 in 0 : vector<8x8xf32>, vector<2040x8xf32> -> vector<2048x8xf32>
    %add3A_65 = arith.addf %add3A_60, %concatenate3A_64 : vector<2048x8xf32>
    %broadcast_in_dim3A_66 = arith.constant 0.000000e+00 : f32
    %broadcast_in_dim3A_67 = vector.broadcast %broadcast_in_dim3A_66 : f32 to vector<16x8xf32>
    %slice3A_68 = vector.extract_strided_slice %add3A_65 {offsets = [0, 0], sizes = [2032, 8], strides = [1, 1]} : vector<2048x8xf32> to vector<2032x8xf32>
    %concatenate3A_69 = tpu.concatenate %broadcast_in_dim3A_67, %slice3A_68 in 0 : vector<16x8xf32>, vector<2032x8xf32> -> vector<2048x8xf32>
    %add3A_70 = arith.addf %add3A_65, %concatenate3A_69 : vector<2048x8xf32>
    %broadcast_in_dim3A_71 = arith.constant 0.000000e+00 : f32
    %broadcast_in_dim3A_72 = vector.broadcast %broadcast_in_dim3A_71 : f32 to vector<32x8xf32>
    %slice3A_73 = vector.extract_strided_slice %add3A_70 {offsets = [0, 0], sizes = [2016, 8], strides = [1, 1]} : vector<2048x8xf32> to vector<2016x8xf32>
    %concatenate3A_74 = tpu.concatenate %broadcast_in_dim3A_72, %slice3A_73 in 0 : vector<32x8xf32>, vector<2016x8xf32> -> vector<2048x8xf32>
    %add3A_75 = arith.addf %add3A_70, %concatenate3A_74 : vector<2048x8xf32>
    %broadcast_in_dim3A_76 = arith.constant 0.000000e+00 : f32
    %broadcast_in_dim3A_77 = vector.broadcast %broadcast_in_dim3A_76 : f32 to vector<64x8xf32>
    %slice3A_78 = vector.extract_strided_slice %add3A_75 {offsets = [0, 0], sizes = [1984, 8], strides = [1, 1]} : vector<2048x8xf32> to vector<1984x8xf32>
    %concatenate3A_79 = tpu.concatenate %broadcast_in_dim3A_77, %slice3A_78 in 0 : vector<64x8xf32>, vector<1984x8xf32> -> vector<2048x8xf32>
    %add3A_80 = arith.addf %add3A_75, %concatenate3A_79 : vector<2048x8xf32>
    %broadcast_in_dim3A_81 = arith.constant 0.000000e+00 : f32
    %broadcast_in_dim3A_82 = vector.broadcast %broadcast_in_dim3A_81 : f32 to vector<128x8xf32>
    %slice3A_83 = vector.extract_strided_slice %add3A_80 {offsets = [0, 0], sizes = [1920, 8], strides = [1, 1]} : vector<2048x8xf32> to vector<1920x8xf32>
    %concatenate3A_84 = tpu.concatenate %broadcast_in_dim3A_82, %slice3A_83 in 0 : vector<128x8xf32>, vector<1920x8xf32> -> vector<2048x8xf32>
    %add3A_85 = arith.addf %add3A_80, %concatenate3A_84 : vector<2048x8xf32>
    %broadcast_in_dim3A_86 = arith.constant 0.000000e+00 : f32
    %broadcast_in_dim3A_87 = vector.broadcast %broadcast_in_dim3A_86 : f32 to vector<256x8xf32>
    %slice3A_88 = vector.extract_strided_slice %add3A_85 {offsets = [0, 0], sizes = [1792, 8], strides = [1, 1]} : vector<2048x8xf32> to vector<1792x8xf32>
    %concatenate3A_89 = tpu.concatenate %broadcast_in_dim3A_87, %slice3A_88 in 0 : vector<256x8xf32>, vector<1792x8xf32> -> vector<2048x8xf32>
    %add3A_90 = arith.addf %add3A_85, %concatenate3A_89 : vector<2048x8xf32>
    %broadcast_in_dim3A_91 = arith.constant 0.000000e+00 : f32
    %broadcast_in_dim3A_92 = vector.broadcast %broadcast_in_dim3A_91 : f32 to vector<512x8xf32>
    %slice3A_93 = vector.extract_strided_slice %add3A_90 {offsets = [0, 0], sizes = [1536, 8], strides = [1, 1]} : vector<2048x8xf32> to vector<1536x8xf32>
    %concatenate3A_94 = tpu.concatenate %broadcast_in_dim3A_92, %slice3A_93 in 0 : vector<512x8xf32>, vector<1536x8xf32> -> vector<2048x8xf32>
    %add3A_95 = arith.addf %add3A_90, %concatenate3A_94 : vector<2048x8xf32>
    %broadcast_in_dim3A_96 = arith.constant 0.000000e+00 : f32
    %broadcast_in_dim3A_97 = vector.broadcast %broadcast_in_dim3A_96 : f32 to vector<1024x8xf32>
    %slice3A_98 = vector.extract_strided_slice %add3A_95 {offsets = [0, 0], sizes = [1024, 8], strides = [1, 1]} : vector<2048x8xf32> to vector<1024x8xf32>
    %concatenate3A_99 = tpu.concatenate %broadcast_in_dim3A_97, %slice3A_98 in 0 : vector<1024x8xf32>, vector<1024x8xf32> -> vector<2048x8xf32>
    %add3A_100 = arith.addf %add3A_95, %concatenate3A_99 : vector<2048x8xf32>
    %sub3A_101 = arith.subf %add3A_100, %add3A_47 : vector<2048x8xf32>
    %slice3A_102 = vector.extract_strided_slice %add3A_100 {offsets = [2047, 0], sizes = [1, 8], strides = [1, 1]} : vector<2048x8xf32> to vector<1x8xf32>
    %convert_element_type3A_103 = arith.fptosi %slice3A_102 : vector<1x8xf32> to vector<1x8xi32>
    %add3A_104 = arith.constant 255 : i32
    %add3A_105 = vector.broadcast %add3A_104 : i32 to vector<1x8xi32>
    %add3A_106 = arith.addi %convert_element_type3A_103, %add3A_105 : vector<1x8xi32>
    %jit3A_107 = arith.constant 256 : i32
    %div3A_108 = vector.broadcast %jit3A_107 : i32 to vector<1x8xi32>
    %div3A_109 = arith.divsi %add3A_106, %div3A_108 : vector<1x8xi32>
    %sign3A = arith.constant 0 : i32
    %sign3A_110 = vector.broadcast %sign3A : i32 to vector<1x8xi32>
    %sign3A_111 = arith.cmpi sgt, %add3A_106, %sign3A_110 : vector<1x8xi32>
    %sign3A_112 = arith.extui %sign3A_111 : vector<1x8xi1> to vector<1x8xi32>
    %sign3A_113 = arith.constant 0 : i32
    %sign3A_114 = vector.broadcast %sign3A_113 : i32 to vector<1x8xi32>
    %sign3A_115 = arith.cmpi slt, %add3A_106, %sign3A_114 : vector<1x8xi32>
    %sign3A_116 = arith.extui %sign3A_115 : vector<1x8xi1> to vector<1x8xi32>
    %sign3A_117 = arith.subi %sign3A_112, %sign3A_116 : vector<1x8xi32>
    %sign3A_118 = arith.constant 0 : i32
    %sign3A_119 = arith.cmpi sgt, %jit3A_107, %sign3A_118 : i32
    %sign3A_120 = arith.extui %sign3A_119 : i1 to i32
    %sign3A_121 = arith.constant 0 : i32
    %sign3A_122 = arith.cmpi slt, %jit3A_107, %sign3A_121 : i32
    %sign3A_123 = arith.extui %sign3A_122 : i1 to i32
    %sign3A_124 = arith.subi %sign3A_120, %sign3A_123 : i32
    %ne3A = vector.broadcast %sign3A_124 : i32 to vector<1x8xi32>
    %ne3A_125 = arith.cmpi ne, %sign3A_117, %ne3A : vector<1x8xi32>
    %rem3A = vector.broadcast %jit3A_107 : i32 to vector<1x8xi32>
    %rem3A_126 = arith.remsi %add3A_106, %rem3A : vector<1x8xi32>
    %ne3A_127 = arith.constant 0 : i32
    %ne3A_128 = vector.broadcast %ne3A_127 : i32 to vector<1x8xi32>
    %ne3A_129 = arith.cmpi ne, %rem3A_126, %ne3A_128 : vector<1x8xi32>
    %and3A = arith.andi %ne3A_125, %ne3A_129 : vector<1x8xi1>
    %sub3A_130 = arith.constant 1 : i32
    %sub3A_131 = vector.broadcast %sub3A_130 : i32 to vector<1x8xi32>
    %sub3A_132 = arith.subi %div3A_109, %sub3A_131 : vector<1x8xi32>
    %select_n3A_133 = arith.select %and3A, %sub3A_132, %div3A_109 : vector<1x8xi1>, vector<1x8xi32>
    %mul3A = arith.constant 256 : i32
    %mul3A_134 = vector.broadcast %mul3A : i32 to vector<1x8xi32>
    %mul3A_135 = arith.muli %select_n3A_133, %mul3A_134 : vector<1x8xi32>
    %iota3A_136 = tpu.iota {dimensions = array<i32: 0>} : vector<8x8xi32>
    %iota3A_137 = tpu.iota {dimensions = array<i32: 1>} : vector<8x8xi32>
    %lt3A = arith.cmpi slt, %iota3A_136, %iota3A_137 : vector<8x8xi32>
    %convert_element_type3A_138 = arith.extui %lt3A : vector<8x8xi1> to vector<8x8xi32>
    %convert_element_type3A_139 = arith.sitofp %convert_element_type3A_138 : vector<8x8xi32> to vector<8x8xf32>
    %convert_element_type3A_140 = arith.sitofp %mul3A_135 : vector<1x8xi32> to vector<1x8xf32>
    %dot_general3A_141 = arith.constant dense<0.000000e+00> : vector<1x8xf32>
    %dot_general3A_142 = tpu.matmul %convert_element_type3A_140, %convert_element_type3A_139, %dot_general3A_141 {dimension_numbers = #tpu.dot_dimension_numbers<[1], [0], [0], [1], [0, 0, 1, 1], [], []>, transpose_lhs_hint = false} : vector<1x8xf32>, vector<8x8xf32>, vector<1x8xf32> -> vector<1x8xf32>
    %add3A_143 = vector.broadcast %dot_general3A_142 : vector<1x8xf32> to vector<2048x8xf32>
    %add3A_144 = arith.addf %add3A_143, %sub3A_101 : vector<2048x8xf32>
    %mul3A_145 = arith.mulf %convert_element_type3A_42, %add3A_144 : vector<2048x8xf32>
    %reduce_sum3A = arith.constant dense<0.000000e+00> : vector<2048xf32>
    %reduce_sum3A_146 = vector.multi_reduction <add>, %mul3A_145, %reduce_sum3A [1] : vector<2048x8xf32> to vector<2048xf32>
    %convert_element_type3A_147 = arith.fptosi %reduce_sum3A_146 : vector<2048xf32> to vector<2048xi32>
    %mul3A_148 = arith.mulf %convert_element_type3A_46, %add3A_144 : vector<2048x8xf32>
    %reduce_sum3A_149 = arith.constant dense<0.000000e+00> : vector<2048xf32>
    %reduce_sum3A_150 = vector.multi_reduction <add>, %mul3A_148, %reduce_sum3A_149 [1] : vector<2048x8xf32> to vector<2048xf32>
    %convert_element_type3A_151 = arith.fptosi %reduce_sum3A_150 : vector<2048xf32> to vector<2048xi32>
    %swap3A = arith.constant 0 : index
    %swap3A_152 = arith.constant 0 : index
    %swap3A_153 = vector.load %arg4[%swap3A, %swap3A_152] : memref<2x2048xi32, #tpu.memory_space<vmem>>, vector<1x2048xi32>
    %swap3A_154 = vector.shape_cast %swap3A_153 : vector<1x2048xi32> to vector<2048xi32>
    %swap3A_155 = vector.shape_cast %convert_element_type3A_147 : vector<2048xi32> to vector<1x2048xi32>
    tpu.vector_store %arg4[%swap3A, %swap3A_152], %swap3A_155 {strides = array<i32>} : memref<2x2048xi32, #tpu.memory_space<vmem>>, vector<1x2048xi32>,
    %swap3A_156 = arith.constant 1 : index
    %swap3A_157 = arith.constant 0 : index
    %swap3A_158 = vector.load %arg4[%swap3A_156, %swap3A_157] : memref<2x2048xi32, #tpu.memory_space<vmem>>, vector<1x2048xi32>
    %swap3A_159 = vector.shape_cast %swap3A_158 : vector<1x2048xi32> to vector<2048xi32>
    %swap3A_160 = vector.shape_cast %convert_element_type3A_151 : vector<2048xi32> to vector<1x2048xi32>
    tpu.vector_store %arg4[%swap3A_156, %swap3A_157], %swap3A_160 {strides = array<i32>} : memref<2x2048xi32, #tpu.memory_space<vmem>>, vector<1x2048xi32>,
    %squeeze3A = vector.shape_cast %div3A_35 : vector<2048x1xf32> to vector<2048xf32>
    %swap3A_161 = arith.constant 0 : index
    %swap3A_162 = arith.constant 0 : index
    %swap3A_163 = vector.load %arg5[%swap3A_161, %swap3A_162] : memref<2x2048xf32, #tpu.memory_space<vmem>>, vector<1x2048xf32>
    %swap3A_164 = vector.shape_cast %swap3A_163 : vector<1x2048xf32> to vector<2048xf32>
    %swap3A_165 = vector.shape_cast %squeeze3A : vector<2048xf32> to vector<1x2048xf32>
    tpu.vector_store %arg5[%swap3A_161, %swap3A_162], %swap3A_165 {strides = array<i32>} : memref<2x2048xf32, #tpu.memory_space<vmem>>, vector<1x2048xf32>,
    %squeeze3A_166 = vector.shape_cast %div3A_39 : vector<2048x1xf32> to vector<2048xf32>
    %swap3A_167 = arith.constant 1 : index
    %swap3A_168 = arith.constant 0 : index
    %swap3A_169 = vector.load %arg5[%swap3A_167, %swap3A_168] : memref<2x2048xf32, #tpu.memory_space<vmem>>, vector<1x2048xf32>
    %swap3A_170 = vector.shape_cast %swap3A_169 : vector<1x2048xf32> to vector<2048xf32>
    %swap3A_171 = vector.shape_cast %squeeze3A_166 : vector<2048xf32> to vector<1x2048xf32>
    tpu.vector_store %arg5[%swap3A_167, %swap3A_168], %swap3A_171 {strides = array<i32>} : memref<2x2048xf32, #tpu.memory_space<vmem>>, vector<1x2048xf32>,
    %convert_element_type3A_172 = arith.sitofp %mul3A_135 : vector<1x8xi32> to vector<1x8xf32>
    %add3A_173 = arith.addf %dot_general3A_142, %convert_element_type3A_172 : vector<1x8xf32>
    %convert_element_type3A_174 = arith.fptosi %add3A_173 : vector<1x8xf32> to vector<1x8xi32>
    %reshape3A = vector.shape_cast %convert_element_type3A_174 : vector<1x8xi32> to vector<8x1xi32>
    %iota3A_175 = tpu.iota {dimensions = array<i32: 1>} : vector<8x24xi32>
    %mul3A_176 = arith.constant 256 : i32
    %mul3A_177 = vector.broadcast %mul3A_176 : i32 to vector<8x24xi32>
    %mul3A_178 = arith.muli %iota3A_175, %mul3A_177 : vector<8x24xi32>
    %ge3A = vector.broadcast %reshape3A : vector<8x1xi32> to vector<8x24xi32>
    %ge3A_179 = arith.cmpi sge, %mul3A_178, %ge3A : vector<8x24xi32>
    %convert_element_type3A_180 = arith.extui %ge3A_179 : vector<8x24xi1> to vector<8x24xi32>
    %reduce_sum3A_181 = arith.constant dense<0> : vector<24xi32>
    %reduce_sum3A_182 = vector.multi_reduction <add>, %convert_element_type3A_180, %reduce_sum3A_181 [0] : vector<8x24xi32> to vector<24xi32>
    %broadcast_in_dim3A_183 = vector.shape_cast %reduce_sum3A_182 : vector<24xi32> to vector<1x24xi32>
    %min3A = arith.constant 7 : i32
    %min3A_184 = vector.broadcast %min3A : i32 to vector<1x24xi32>
    %min3A_185 = arith.minsi %broadcast_in_dim3A_183, %min3A_184 : vector<1x24xi32>
    %gt3A = arith.constant 0 : i32
    %gt3A_186 = vector.broadcast %gt3A : i32 to vector<1x8xi32>
    %gt3A_187 = arith.cmpi sgt, %mul3A_135, %gt3A_186 : vector<1x8xi32>
    %convert_element_type3A_188 = arith.extui %gt3A_187 : vector<1x8xi1> to vector<1x8xi32>
    %convert_element_type3A_189 = arith.sitofp %convert_element_type3A_188 : vector<1x8xi32> to vector<1x8xf32>
    %dot_general3A_190 = arith.constant dense<0.000000e+00> : vector<1x8xf32>
    %dot_general3A_191 = tpu.matmul %convert_element_type3A_189, %convert_element_type3A_139, %dot_general3A_190 {dimension_numbers = #tpu.dot_dimension_numbers<[1], [0], [0], [1], [0, 0, 1, 1], [], []>, transpose_lhs_hint = false} : vector<1x8xf32>, vector<8x8xf32>, vector<1x8xf32> -> vector<1x8xf32>
    %eq3A_192 = arith.cmpi eq, %iota3A_136, %iota3A_137 : vector<8x8xi32>
    %convert_element_type3A_193 = arith.extui %eq3A_192 : vector<8x8xi1> to vector<8x8xi32>
    %convert_element_type3A_194 = arith.sitofp %convert_element_type3A_193 : vector<8x8xi32> to vector<8x8xf32>
    %broadcast_in_dim3A_195 = vector.shape_cast %dot_general3A_191 : vector<1x8xf32> to vector<1x8xf32>
    %broadcast_in_dim3A_196 = vector.broadcast %broadcast_in_dim3A_195 : vector<1x8xf32> to vector<8x8xf32>
    %mul3A_197 = arith.mulf %broadcast_in_dim3A_196, %convert_element_type3A_194 : vector<8x8xf32>
    %reduce_sum3A_198 = arith.constant dense<0.000000e+00> : vector<8xf32>
    %reduce_sum3A_199 = vector.multi_reduction <add>, %mul3A_197, %reduce_sum3A_198 [1] : vector<8x8xf32> to vector<8xf32>
    %broadcast_in_dim3A_200 = vector.shape_cast %reduce_sum3A_199 : vector<8xf32> to vector<8x1xf32>
    %broadcast_in_dim3A_201 = vector.shape_cast %convert_element_type3A_189 : vector<1x8xf32> to vector<1x8xf32>
    %broadcast_in_dim3A_202 = vector.broadcast %broadcast_in_dim3A_201 : vector<1x8xf32> to vector<8x8xf32>
    %mul3A_203 = arith.mulf %broadcast_in_dim3A_202, %convert_element_type3A_194 : vector<8x8xf32>
    %reduce_sum3A_204 = arith.constant dense<0.000000e+00> : vector<8xf32>
    %reduce_sum3A_205 = vector.multi_reduction <add>, %mul3A_203, %reduce_sum3A_204 [1] : vector<8x8xf32> to vector<8xf32>
    %broadcast_in_dim3A_206 = vector.shape_cast %reduce_sum3A_205 : vector<8xf32> to vector<8x1xf32>
    %convert_element_type3A_207 = arith.fptosi %broadcast_in_dim3A_200 : vector<8x1xf32> to vector<8x1xi32>
    %eq3A_208 = vector.broadcast %convert_element_type3A_207 : vector<8x1xi32> to vector<8x8xi32>
    %eq3A_209 = arith.cmpi eq, %eq3A_208, %iota3A_137 : vector<8x8xi32>
    %gt3A_210 = arith.constant 5.000000e-01 : f32
    %gt3A_211 = vector.broadcast %gt3A_210 : f32 to vector<8x1xf32>
    %gt3A_212 = arith.cmpf ogt, %broadcast_in_dim3A_206, %gt3A_211 : vector<8x1xf32>
    %and3A_213 = vector.broadcast %gt3A_212 : vector<8x1xi1> to vector<8x8xi1>
    %and3A_214 = arith.andi %eq3A_209, %and3A_213 : vector<8x8xi1>
    %convert_element_type3A_215 = arith.extui %and3A_214 : vector<8x8xi1> to vector<8x8xi32>
    %mul3A_216 = arith.muli %iota3A_136, %convert_element_type3A_215 : vector<8x8xi32>
    %reduce_sum3A_217 = arith.constant dense<0> : vector<8xi32>
    %reduce_sum3A_218 = vector.multi_reduction <add>, %mul3A_216, %reduce_sum3A_217 [0] : vector<8x8xi32> to vector<8xi32>
    %broadcast_in_dim3A_219 = vector.shape_cast %reduce_sum3A_218 : vector<8xi32> to vector<1x8xi32>
    %gt3A_220 = arith.constant 0 : i32
    %gt3A_221 = vector.broadcast %gt3A_220 : i32 to vector<1x8xi32>
    %gt3A_222 = arith.cmpi sgt, %mul3A_135, %gt3A_221 : vector<1x8xi32>
    %convert_element_type3A_223 = arith.extui %gt3A_222 : vector<1x8xi1> to vector<1x8xi32>
    %reduce_sum3A_224 = arith.constant dense<0> : vector<1xi32>
    %reduce_sum3A_225 = vector.multi_reduction <add>, %convert_element_type3A_223, %reduce_sum3A_224 [1] : vector<1x8xi32> to vector<1xi32>
    %broadcast_in_dim3A_226 = vector.shape_cast %reduce_sum3A_225 : vector<1xi32> to vector<1x1xi32>
    %broadcast_in_dim3A_227 = arith.constant 0 : i32
    %broadcast_in_dim3A_228 = vector.broadcast %broadcast_in_dim3A_227 : i32 to vector<1x31xi32>
    %concatenate3A_229 = tpu.concatenate %min3A_185, %broadcast_in_dim3A_219, %broadcast_in_dim3A_226, %broadcast_in_dim3A_228 in 1 : vector<1x24xi32>, vector<1x8xi32>, vector<1x1xi32>, vector<1x31xi32> -> vector<1x64xi32>
    %swap3A_230 = arith.constant 0 : index
    %swap3A_231 = arith.constant 0 : index
    %swap3A_232 = vector.load %arg6[%swap3A_230, %swap3A_231] : memref<1x64xi32, #tpu.memory_space<vmem>>, vector<1x64xi32>
    tpu.vector_store %arg6[%swap3A_230, %swap3A_231], %concatenate3A_229 {strides = array<i32>} : memref<1x64xi32, #tpu.memory_space<vmem>>, vector<1x64xi32>,
    return
  }
  func.func @transform_0(%arg0: i32) -> (i32, i32) {
    %c0_i32 = arith.constant 0 : i32
    %c0_i32_0 = arith.constant 0 : i32
    %c0_i32_1 = arith.constant 0 : i32
    return %c0_i32, %c0_i32_0 : i32, i32
  }
  func.func @transform_1(%arg0: i32) -> (i32, i32) {
    %c0_i32 = arith.constant 0 : i32
    %c0_i32_0 = arith.constant 0 : i32
    %c0_i32_1 = arith.constant 0 : i32
    return %c0_i32, %c0_i32_0 : i32, i32
  }
  func.func @transform_2(%arg0: i32) -> i32 {
    %c0_i32 = arith.constant 0 : i32
    %c0_i32_0 = arith.constant 0 : i32
    return %c0_i32 : i32
  }
  func.func @transform_3(%arg0: i32) -> (i32, i32) {
    %c0_i32 = arith.constant 0 : i32
    %c0_i32_0 = arith.constant 0 : i32
    %c0_i32_1 = arith.constant 0 : i32
    return %c0_i32, %c0_i32_0 : i32, i32
  }
  func.func @transform_4(%arg0: i32) -> (i32, i32) {
    %c0_i32 = arith.constant 0 : i32
    %c0_i32_0 = arith.constant 0 : i32
    %c0_i32_1 = arith.constant 0 : i32
    return %c0_i32, %c0_i32_0 : i32, i32
  }
  func.func @transform_5(%arg0: i32) -> (i32, i32) {
    %c0_i32 = arith.constant 0 : i32
    %c0_i32_0 = arith.constant 0 : i32
    %c0_i32_1 = arith.constant 0 : i32
    return %c0_i32, %c0_i32_0 : i32, i32
  }
}

module attributes {stable_mosaic.version = 14 : i64} {
  func.func @_gmm_body(%arg0: i32, %arg1: memref<1x64xi32, #tpu.memory_space<smem>>, %arg2: memref<256x768xf32, #tpu.memory_space<vmem>>, %arg3: memref<8x768x1536xf32, #tpu.memory_space<any>>, %arg4: memref<8x1x1536xf32, #tpu.memory_space<any>>, %arg5: memref<8x1536x768xf32, #tpu.memory_space<any>>, %arg6: memref<8x1x768xf32, #tpu.memory_space<any>>, %arg7: memref<256x768xf32, #tpu.memory_space<vmem>>, %arg8: memref<2x768x1536xf32, #tpu.memory_space<vmem>>, %arg9: memref<2x1536x768xf32, #tpu.memory_space<vmem>>, %arg10: memref<2x1x1536xf32, #tpu.memory_space<vmem>>, %arg11: memref<2x1x768xf32, #tpu.memory_space<vmem>>, %arg12: memref<2x!tpu.dma_semaphore, #tpu.memory_space<semaphore_mem>>, %arg13: memref<2x!tpu.dma_semaphore, #tpu.memory_space<semaphore_mem>>, %arg14: memref<2x!tpu.dma_semaphore, #tpu.memory_space<semaphore_mem>>, %arg15: memref<2x!tpu.dma_semaphore, #tpu.memory_space<semaphore_mem>>, %arg16: memref<1xi32, #tpu.memory_space<smem>>) attributes {dimension_semantics = [#tpu.dimension_semantics<arbitrary>], iteration_bounds = array<i64: 24>, scalar_prefetch = 1 : i64, scratch_operands = 9 : i64, tpu.core_type = #tpu.core_type<tc>, window_params = [{transform_indices = @transform_0, window_bounds = array<i64: 256, 768>}, {}, {}, {}, {}, {transform_indices = @transform_5, window_bounds = array<i64: 256, 768>}]} {
    %get3A = arith.constant 0 : index
    %get3A_0 = arith.index_cast %arg0 : i32 to index
    %get3A_1 = memref.load %arg1[%get3A, %get3A_0] : memref<1x64xi32, #tpu.memory_space<smem>>
    %sub3A = arith.constant 1 : i32
    %sub3A_2 = arith.subi %arg0, %sub3A : i32
    %max3A = arith.constant 0 : i32
    %max3A_3 = arith.maxsi %sub3A_2, %max3A : i32
    %get3A_4 = arith.constant 0 : index
    %get3A_5 = arith.index_cast %max3A_3 : i32 to index
    %get3A_6 = memref.load %arg1[%get3A_4, %get3A_5] : memref<1x64xi32, #tpu.memory_space<smem>>
    %get3A_7 = arith.constant 0 : index
    %get3A_8 = arith.constant 32 : index
    %get3A_9 = memref.load %arg1[%get3A_7, %get3A_8] : memref<1x64xi32, #tpu.memory_space<smem>>
    %eq3A = arith.constant 0 : i32
    %eq3A_10 = arith.cmpi eq, %arg0, %eq3A : i32
    %convert_element_type3A = arith.extui %eq3A_10 : i1 to i32
    %cond3A = arith.constant 0 : i32
    %cond3A_11 = arith.cmpi ne, %convert_element_type3A, %cond3A : i32
    scf.if %cond3A_11 {
      %swap3A_56 = arith.constant 0 : i32
      %swap3A_57 = arith.constant 0 : index
      %swap3A_58 = memref.load %arg16[%swap3A_57] : memref<1xi32, #tpu.memory_space<smem>>
      memref.store %swap3A_56, %arg16[%swap3A_57] : memref<1xi32, #tpu.memory_space<smem>>
      %get3A_59 = arith.constant 0 : index
      %get3A_60 = arith.constant 24 : index
      %get3A_61 = memref.load %arg1[%get3A_59, %get3A_60] : memref<1x64xi32, #tpu.memory_space<smem>>
      %dma_start3A = arith.constant 0 : i32
      %dma_start3A_62 = arith.constant 0 : i32
      %dma_start3A_63 = tpu.memref_slice %arg12[%dma_start3A_62] : memref<2x!tpu.dma_semaphore, #tpu.memory_space<semaphore_mem>> -> memref<1x!tpu.dma_semaphore, #tpu.memory_space<semaphore_mem>>
      %dma_start3A_64 = tpu.memref_squeeze %dma_start3A_63 : memref<1x!tpu.dma_semaphore, #tpu.memory_space<semaphore_mem>> -> memref<!tpu.dma_semaphore, #tpu.memory_space<semaphore_mem>>
      %dma_start3A_65 = arith.constant 0 : i32
      %dma_start3A_66 = arith.constant 0 : i32
      %dma_start3A_67 = tpu.memref_slice %arg8[%dma_start3A, %dma_start3A_65, %dma_start3A_66] : memref<2x768x1536xf32, #tpu.memory_space<vmem>> -> memref<1x768x1536xf32, #tpu.memory_space<vmem>>
      %dma_start3A_68 = tpu.memref_squeeze %dma_start3A_67 : memref<1x768x1536xf32, #tpu.memory_space<vmem>> -> memref<768x1536xf32, #tpu.memory_space<vmem>>
      %dma_start3A_69 = arith.constant 0 : i32
      %dma_start3A_70 = arith.constant 0 : i32
      %dma_start3A_71 = tpu.memref_slice %arg3[%get3A_61, %dma_start3A_69, %dma_start3A_70] : memref<8x768x1536xf32, #tpu.memory_space<any>> -> memref<1x768x1536xf32, #tpu.memory_space<any>>
      %dma_start3A_72 = tpu.memref_squeeze %dma_start3A_71 : memref<1x768x1536xf32, #tpu.memory_space<any>> -> memref<768x1536xf32, #tpu.memory_space<any>>
      tpu.enqueue_dma source(%dma_start3A_72 : memref<768x1536xf32, #tpu.memory_space<any>>) target(%dma_start3A_68 : memref<768x1536xf32, #tpu.memory_space<vmem>>) target_semaphore(%dma_start3A_64 : memref<!tpu.dma_semaphore, #tpu.memory_space<semaphore_mem>>)
      %dma_start3A_73 = arith.constant 0 : i32
      %dma_start3A_74 = arith.constant 0 : i32
      %dma_start3A_75 = tpu.memref_slice %arg13[%dma_start3A_74] : memref<2x!tpu.dma_semaphore, #tpu.memory_space<semaphore_mem>> -> memref<1x!tpu.dma_semaphore, #tpu.memory_space<semaphore_mem>>
      %dma_start3A_76 = tpu.memref_squeeze %dma_start3A_75 : memref<1x!tpu.dma_semaphore, #tpu.memory_space<semaphore_mem>> -> memref<!tpu.dma_semaphore, #tpu.memory_space<semaphore_mem>>
      %dma_start3A_77 = arith.constant 0 : i32
      %dma_start3A_78 = arith.constant 0 : i32
      %dma_start3A_79 = tpu.memref_slice %arg9[%dma_start3A_73, %dma_start3A_77, %dma_start3A_78] : memref<2x1536x768xf32, #tpu.memory_space<vmem>> -> memref<1x1536x768xf32, #tpu.memory_space<vmem>>
      %dma_start3A_80 = tpu.memref_squeeze %dma_start3A_79 : memref<1x1536x768xf32, #tpu.memory_space<vmem>> -> memref<1536x768xf32, #tpu.memory_space<vmem>>
      %dma_start3A_81 = arith.constant 0 : i32
      %dma_start3A_82 = arith.constant 0 : i32
      %dma_start3A_83 = tpu.memref_slice %arg5[%get3A_61, %dma_start3A_81, %dma_start3A_82] : memref<8x1536x768xf32, #tpu.memory_space<any>> -> memref<1x1536x768xf32, #tpu.memory_space<any>>
      %dma_start3A_84 = tpu.memref_squeeze %dma_start3A_83 : memref<1x1536x768xf32, #tpu.memory_space<any>> -> memref<1536x768xf32, #tpu.memory_space<any>>
      tpu.enqueue_dma source(%dma_start3A_84 : memref<1536x768xf32, #tpu.memory_space<any>>) target(%dma_start3A_80 : memref<1536x768xf32, #tpu.memory_space<vmem>>) target_semaphore(%dma_start3A_76 : memref<!tpu.dma_semaphore, #tpu.memory_space<semaphore_mem>>)
      %dma_start3A_85 = arith.constant 0 : i32
      %dma_start3A_86 = arith.constant 0 : i32
      %dma_start3A_87 = tpu.memref_slice %arg14[%dma_start3A_86] : memref<2x!tpu.dma_semaphore, #tpu.memory_space<semaphore_mem>> -> memref<1x!tpu.dma_semaphore, #tpu.memory_space<semaphore_mem>>
      %dma_start3A_88 = tpu.memref_squeeze %dma_start3A_87 : memref<1x!tpu.dma_semaphore, #tpu.memory_space<semaphore_mem>> -> memref<!tpu.dma_semaphore, #tpu.memory_space<semaphore_mem>>
      %dma_start3A_89 = arith.constant 0 : i32
      %dma_start3A_90 = arith.constant 0 : i32
      %dma_start3A_91 = tpu.memref_slice %arg10[%dma_start3A_85, %dma_start3A_89, %dma_start3A_90] : memref<2x1x1536xf32, #tpu.memory_space<vmem>> -> memref<1x1x1536xf32, #tpu.memory_space<vmem>>
      %dma_start3A_92 = tpu.memref_squeeze %dma_start3A_91 : memref<1x1x1536xf32, #tpu.memory_space<vmem>> -> memref<1x1536xf32, #tpu.memory_space<vmem>>
      %dma_start3A_93 = arith.constant 0 : i32
      %dma_start3A_94 = arith.constant 0 : i32
      %dma_start3A_95 = tpu.memref_slice %arg4[%get3A_61, %dma_start3A_93, %dma_start3A_94] : memref<8x1x1536xf32, #tpu.memory_space<any>> -> memref<1x1x1536xf32, #tpu.memory_space<any>>
      %dma_start3A_96 = tpu.memref_squeeze %dma_start3A_95 : memref<1x1x1536xf32, #tpu.memory_space<any>> -> memref<1x1536xf32, #tpu.memory_space<any>>
      tpu.enqueue_dma source(%dma_start3A_96 : memref<1x1536xf32, #tpu.memory_space<any>>) target(%dma_start3A_92 : memref<1x1536xf32, #tpu.memory_space<vmem>>) target_semaphore(%dma_start3A_88 : memref<!tpu.dma_semaphore, #tpu.memory_space<semaphore_mem>>)
      %dma_start3A_97 = arith.constant 0 : i32
      %dma_start3A_98 = arith.constant 0 : i32
      %dma_start3A_99 = tpu.memref_slice %arg15[%dma_start3A_98] : memref<2x!tpu.dma_semaphore, #tpu.memory_space<semaphore_mem>> -> memref<1x!tpu.dma_semaphore, #tpu.memory_space<semaphore_mem>>
      %dma_start3A_100 = tpu.memref_squeeze %dma_start3A_99 : memref<1x!tpu.dma_semaphore, #tpu.memory_space<semaphore_mem>> -> memref<!tpu.dma_semaphore, #tpu.memory_space<semaphore_mem>>
      %dma_start3A_101 = arith.constant 0 : i32
      %dma_start3A_102 = arith.constant 0 : i32
      %dma_start3A_103 = tpu.memref_slice %arg11[%dma_start3A_97, %dma_start3A_101, %dma_start3A_102] : memref<2x1x768xf32, #tpu.memory_space<vmem>> -> memref<1x1x768xf32, #tpu.memory_space<vmem>>
      %dma_start3A_104 = tpu.memref_squeeze %dma_start3A_103 : memref<1x1x768xf32, #tpu.memory_space<vmem>> -> memref<1x768xf32, #tpu.memory_space<vmem>>
      %dma_start3A_105 = arith.constant 0 : i32
      %dma_start3A_106 = arith.constant 0 : i32
      %dma_start3A_107 = tpu.memref_slice %arg6[%get3A_61, %dma_start3A_105, %dma_start3A_106] : memref<8x1x768xf32, #tpu.memory_space<any>> -> memref<1x1x768xf32, #tpu.memory_space<any>>
      %dma_start3A_108 = tpu.memref_squeeze %dma_start3A_107 : memref<1x1x768xf32, #tpu.memory_space<any>> -> memref<1x768xf32, #tpu.memory_space<any>>
      tpu.enqueue_dma source(%dma_start3A_108 : memref<1x768xf32, #tpu.memory_space<any>>) target(%dma_start3A_104 : memref<1x768xf32, #tpu.memory_space<vmem>>) target_semaphore(%dma_start3A_100 : memref<!tpu.dma_semaphore, #tpu.memory_space<semaphore_mem>>)
    } else {
    }
    %eq3A_12 = arith.constant 0 : i32
    %eq3A_13 = arith.cmpi eq, %arg0, %eq3A_12 : i32
    %ne3A = arith.cmpi ne, %get3A_1, %get3A_6 : i32
    %or3A = arith.ori %eq3A_13, %ne3A : i1
    %convert_element_type3A_14 = arith.extui %or3A : i1 to i32
    %cond3A_15 = arith.constant 0 : i32
    %cond3A_16 = arith.cmpi ne, %convert_element_type3A_14, %cond3A_15 : i32
    scf.if %cond3A_16 {
      %get3A_56 = arith.constant 0 : index
      %get3A_57 = memref.load %arg16[%get3A_56] : memref<1xi32, #tpu.memory_space<smem>>
      %rem3A_58 = arith.constant 2 : i32
      %rem3A_59 = arith.remsi %get3A_57, %rem3A_58 : i32
      %dma_wait3A = tpu.memref_slice %arg12[%rem3A_59] : memref<2x!tpu.dma_semaphore, #tpu.memory_space<semaphore_mem>> -> memref<1x!tpu.dma_semaphore, #tpu.memory_space<semaphore_mem>>
      %dma_wait3A_60 = tpu.memref_squeeze %dma_wait3A : memref<1x!tpu.dma_semaphore, #tpu.memory_space<semaphore_mem>> -> memref<!tpu.dma_semaphore, #tpu.memory_space<semaphore_mem>>
      %dma_wait3A_61 = arith.constant 0 : i32
      %dma_wait3A_62 = arith.constant 0 : i32
      %dma_wait3A_63 = tpu.memref_slice %arg8[%rem3A_59, %dma_wait3A_61, %dma_wait3A_62] : memref<2x768x1536xf32, #tpu.memory_space<vmem>> -> memref<1x768x1536xf32, #tpu.memory_space<vmem>>
      %dma_wait3A_64 = tpu.memref_squeeze %dma_wait3A_63 : memref<1x768x1536xf32, #tpu.memory_space<vmem>> -> memref<768x1536xf32, #tpu.memory_space<vmem>>
      %dma_wait3A_65 = arith.constant 0 : i32
      %dma_wait3A_66 = arith.constant 0 : i32
      %dma_wait3A_67 = tpu.memref_slice %arg3[%get3A_1, %dma_wait3A_65, %dma_wait3A_66] : memref<8x768x1536xf32, #tpu.memory_space<any>> -> memref<1x768x1536xf32, #tpu.memory_space<any>>
      %dma_wait3A_68 = tpu.memref_squeeze %dma_wait3A_67 : memref<1x768x1536xf32, #tpu.memory_space<any>> -> memref<768x1536xf32, #tpu.memory_space<any>>
      tpu.wait_dma2 semaphore(%dma_wait3A_60 : memref<!tpu.dma_semaphore, #tpu.memory_space<semaphore_mem>>) src(%dma_wait3A_68 : memref<768x1536xf32, #tpu.memory_space<any>>) dst(%dma_wait3A_64 : memref<768x1536xf32, #tpu.memory_space<vmem>>)
      %dma_wait3A_69 = tpu.memref_slice %arg13[%rem3A_59] : memref<2x!tpu.dma_semaphore, #tpu.memory_space<semaphore_mem>> -> memref<1x!tpu.dma_semaphore, #tpu.memory_space<semaphore_mem>>
      %dma_wait3A_70 = tpu.memref_squeeze %dma_wait3A_69 : memref<1x!tpu.dma_semaphore, #tpu.memory_space<semaphore_mem>> -> memref<!tpu.dma_semaphore, #tpu.memory_space<semaphore_mem>>
      %dma_wait3A_71 = arith.constant 0 : i32
      %dma_wait3A_72 = arith.constant 0 : i32
      %dma_wait3A_73 = tpu.memref_slice %arg9[%rem3A_59, %dma_wait3A_71, %dma_wait3A_72] : memref<2x1536x768xf32, #tpu.memory_space<vmem>> -> memref<1x1536x768xf32, #tpu.memory_space<vmem>>
      %dma_wait3A_74 = tpu.memref_squeeze %dma_wait3A_73 : memref<1x1536x768xf32, #tpu.memory_space<vmem>> -> memref<1536x768xf32, #tpu.memory_space<vmem>>
      %dma_wait3A_75 = arith.constant 0 : i32
      %dma_wait3A_76 = arith.constant 0 : i32
      %dma_wait3A_77 = tpu.memref_slice %arg5[%get3A_1, %dma_wait3A_75, %dma_wait3A_76] : memref<8x1536x768xf32, #tpu.memory_space<any>> -> memref<1x1536x768xf32, #tpu.memory_space<any>>
      %dma_wait3A_78 = tpu.memref_squeeze %dma_wait3A_77 : memref<1x1536x768xf32, #tpu.memory_space<any>> -> memref<1536x768xf32, #tpu.memory_space<any>>
      tpu.wait_dma2 semaphore(%dma_wait3A_70 : memref<!tpu.dma_semaphore, #tpu.memory_space<semaphore_mem>>) src(%dma_wait3A_78 : memref<1536x768xf32, #tpu.memory_space<any>>) dst(%dma_wait3A_74 : memref<1536x768xf32, #tpu.memory_space<vmem>>)
      %dma_wait3A_79 = tpu.memref_slice %arg14[%rem3A_59] : memref<2x!tpu.dma_semaphore, #tpu.memory_space<semaphore_mem>> -> memref<1x!tpu.dma_semaphore, #tpu.memory_space<semaphore_mem>>
      %dma_wait3A_80 = tpu.memref_squeeze %dma_wait3A_79 : memref<1x!tpu.dma_semaphore, #tpu.memory_space<semaphore_mem>> -> memref<!tpu.dma_semaphore, #tpu.memory_space<semaphore_mem>>
      %dma_wait3A_81 = arith.constant 0 : i32
      %dma_wait3A_82 = arith.constant 0 : i32
      %dma_wait3A_83 = tpu.memref_slice %arg10[%rem3A_59, %dma_wait3A_81, %dma_wait3A_82] : memref<2x1x1536xf32, #tpu.memory_space<vmem>> -> memref<1x1x1536xf32, #tpu.memory_space<vmem>>
      %dma_wait3A_84 = tpu.memref_squeeze %dma_wait3A_83 : memref<1x1x1536xf32, #tpu.memory_space<vmem>> -> memref<1x1536xf32, #tpu.memory_space<vmem>>
      %dma_wait3A_85 = arith.constant 0 : i32
      %dma_wait3A_86 = arith.constant 0 : i32
      %dma_wait3A_87 = tpu.memref_slice %arg4[%get3A_1, %dma_wait3A_85, %dma_wait3A_86] : memref<8x1x1536xf32, #tpu.memory_space<any>> -> memref<1x1x1536xf32, #tpu.memory_space<any>>
      %dma_wait3A_88 = tpu.memref_squeeze %dma_wait3A_87 : memref<1x1x1536xf32, #tpu.memory_space<any>> -> memref<1x1536xf32, #tpu.memory_space<any>>
      tpu.wait_dma2 semaphore(%dma_wait3A_80 : memref<!tpu.dma_semaphore, #tpu.memory_space<semaphore_mem>>) src(%dma_wait3A_88 : memref<1x1536xf32, #tpu.memory_space<any>>) dst(%dma_wait3A_84 : memref<1x1536xf32, #tpu.memory_space<vmem>>)
      %dma_wait3A_89 = tpu.memref_slice %arg15[%rem3A_59] : memref<2x!tpu.dma_semaphore, #tpu.memory_space<semaphore_mem>> -> memref<1x!tpu.dma_semaphore, #tpu.memory_space<semaphore_mem>>
      %dma_wait3A_90 = tpu.memref_squeeze %dma_wait3A_89 : memref<1x!tpu.dma_semaphore, #tpu.memory_space<semaphore_mem>> -> memref<!tpu.dma_semaphore, #tpu.memory_space<semaphore_mem>>
      %dma_wait3A_91 = arith.constant 0 : i32
      %dma_wait3A_92 = arith.constant 0 : i32
      %dma_wait3A_93 = tpu.memref_slice %arg11[%rem3A_59, %dma_wait3A_91, %dma_wait3A_92] : memref<2x1x768xf32, #tpu.memory_space<vmem>> -> memref<1x1x768xf32, #tpu.memory_space<vmem>>
      %dma_wait3A_94 = tpu.memref_squeeze %dma_wait3A_93 : memref<1x1x768xf32, #tpu.memory_space<vmem>> -> memref<1x768xf32, #tpu.memory_space<vmem>>
      %dma_wait3A_95 = arith.constant 0 : i32
      %dma_wait3A_96 = arith.constant 0 : i32
      %dma_wait3A_97 = tpu.memref_slice %arg6[%get3A_1, %dma_wait3A_95, %dma_wait3A_96] : memref<8x1x768xf32, #tpu.memory_space<any>> -> memref<1x1x768xf32, #tpu.memory_space<any>>
      %dma_wait3A_98 = tpu.memref_squeeze %dma_wait3A_97 : memref<1x1x768xf32, #tpu.memory_space<any>> -> memref<1x768xf32, #tpu.memory_space<any>>
      tpu.wait_dma2 semaphore(%dma_wait3A_90 : memref<!tpu.dma_semaphore, #tpu.memory_space<semaphore_mem>>) src(%dma_wait3A_98 : memref<1x768xf32, #tpu.memory_space<any>>) dst(%dma_wait3A_94 : memref<1x768xf32, #tpu.memory_space<vmem>>)
      %add3A_99 = arith.constant 1 : i32
      %add3A_100 = arith.addi %get3A_57, %add3A_99 : i32
      %lt3A = arith.cmpi slt, %add3A_100, %get3A_9 : i32
      %convert_element_type3A_101 = arith.extui %lt3A : i1 to i32
      %cond3A_102 = arith.constant 0 : i32
      %cond3A_103 = arith.cmpi ne, %convert_element_type3A_101, %cond3A_102 : i32
      scf.if %cond3A_103 {
        %add3A_108 = arith.constant 24 : i32
        %add3A_109 = arith.addi %add3A_108, %get3A_57 : i32
        %add3A_110 = arith.constant 1 : i32
        %add3A_111 = arith.addi %add3A_109, %add3A_110 : i32
        %get3A_112 = arith.constant 0 : index
        %get3A_113 = arith.index_cast %add3A_111 : i32 to index
        %get3A_114 = memref.load %arg1[%get3A_112, %get3A_113] : memref<1x64xi32, #tpu.memory_space<smem>>
        %add3A_115 = arith.constant 1 : i32
        %add3A_116 = arith.addi %get3A_57, %add3A_115 : i32
        %rem3A_117 = arith.constant 2 : i32
        %rem3A_118 = arith.remsi %add3A_116, %rem3A_117 : i32
        %dma_start3A = tpu.memref_slice %arg12[%rem3A_118] : memref<2x!tpu.dma_semaphore, #tpu.memory_space<semaphore_mem>> -> memref<1x!tpu.dma_semaphore, #tpu.memory_space<semaphore_mem>>
        %dma_start3A_119 = tpu.memref_squeeze %dma_start3A : memref<1x!tpu.dma_semaphore, #tpu.memory_space<semaphore_mem>> -> memref<!tpu.dma_semaphore, #tpu.memory_space<semaphore_mem>>
        %dma_start3A_120 = arith.constant 0 : i32
        %dma_start3A_121 = arith.constant 0 : i32
        %dma_start3A_122 = tpu.memref_slice %arg8[%rem3A_118, %dma_start3A_120, %dma_start3A_121] : memref<2x768x1536xf32, #tpu.memory_space<vmem>> -> memref<1x768x1536xf32, #tpu.memory_space<vmem>>
        %dma_start3A_123 = tpu.memref_squeeze %dma_start3A_122 : memref<1x768x1536xf32, #tpu.memory_space<vmem>> -> memref<768x1536xf32, #tpu.memory_space<vmem>>
        %dma_start3A_124 = arith.constant 0 : i32
        %dma_start3A_125 = arith.constant 0 : i32
        %dma_start3A_126 = tpu.memref_slice %arg3[%get3A_114, %dma_start3A_124, %dma_start3A_125] : memref<8x768x1536xf32, #tpu.memory_space<any>> -> memref<1x768x1536xf32, #tpu.memory_space<any>>
        %dma_start3A_127 = tpu.memref_squeeze %dma_start3A_126 : memref<1x768x1536xf32, #tpu.memory_space<any>> -> memref<768x1536xf32, #tpu.memory_space<any>>
        tpu.enqueue_dma source(%dma_start3A_127 : memref<768x1536xf32, #tpu.memory_space<any>>) target(%dma_start3A_123 : memref<768x1536xf32, #tpu.memory_space<vmem>>) target_semaphore(%dma_start3A_119 : memref<!tpu.dma_semaphore, #tpu.memory_space<semaphore_mem>>)
        %dma_start3A_128 = tpu.memref_slice %arg13[%rem3A_118] : memref<2x!tpu.dma_semaphore, #tpu.memory_space<semaphore_mem>> -> memref<1x!tpu.dma_semaphore, #tpu.memory_space<semaphore_mem>>
        %dma_start3A_129 = tpu.memref_squeeze %dma_start3A_128 : memref<1x!tpu.dma_semaphore, #tpu.memory_space<semaphore_mem>> -> memref<!tpu.dma_semaphore, #tpu.memory_space<semaphore_mem>>
        %dma_start3A_130 = arith.constant 0 : i32
        %dma_start3A_131 = arith.constant 0 : i32
        %dma_start3A_132 = tpu.memref_slice %arg9[%rem3A_118, %dma_start3A_130, %dma_start3A_131] : memref<2x1536x768xf32, #tpu.memory_space<vmem>> -> memref<1x1536x768xf32, #tpu.memory_space<vmem>>
        %dma_start3A_133 = tpu.memref_squeeze %dma_start3A_132 : memref<1x1536x768xf32, #tpu.memory_space<vmem>> -> memref<1536x768xf32, #tpu.memory_space<vmem>>
        %dma_start3A_134 = arith.constant 0 : i32
        %dma_start3A_135 = arith.constant 0 : i32
        %dma_start3A_136 = tpu.memref_slice %arg5[%get3A_114, %dma_start3A_134, %dma_start3A_135] : memref<8x1536x768xf32, #tpu.memory_space<any>> -> memref<1x1536x768xf32, #tpu.memory_space<any>>
        %dma_start3A_137 = tpu.memref_squeeze %dma_start3A_136 : memref<1x1536x768xf32, #tpu.memory_space<any>> -> memref<1536x768xf32, #tpu.memory_space<any>>
        tpu.enqueue_dma source(%dma_start3A_137 : memref<1536x768xf32, #tpu.memory_space<any>>) target(%dma_start3A_133 : memref<1536x768xf32, #tpu.memory_space<vmem>>) target_semaphore(%dma_start3A_129 : memref<!tpu.dma_semaphore, #tpu.memory_space<semaphore_mem>>)
        %dma_start3A_138 = tpu.memref_slice %arg14[%rem3A_118] : memref<2x!tpu.dma_semaphore, #tpu.memory_space<semaphore_mem>> -> memref<1x!tpu.dma_semaphore, #tpu.memory_space<semaphore_mem>>
        %dma_start3A_139 = tpu.memref_squeeze %dma_start3A_138 : memref<1x!tpu.dma_semaphore, #tpu.memory_space<semaphore_mem>> -> memref<!tpu.dma_semaphore, #tpu.memory_space<semaphore_mem>>
        %dma_start3A_140 = arith.constant 0 : i32
        %dma_start3A_141 = arith.constant 0 : i32
        %dma_start3A_142 = tpu.memref_slice %arg10[%rem3A_118, %dma_start3A_140, %dma_start3A_141] : memref<2x1x1536xf32, #tpu.memory_space<vmem>> -> memref<1x1x1536xf32, #tpu.memory_space<vmem>>
        %dma_start3A_143 = tpu.memref_squeeze %dma_start3A_142 : memref<1x1x1536xf32, #tpu.memory_space<vmem>> -> memref<1x1536xf32, #tpu.memory_space<vmem>>
        %dma_start3A_144 = arith.constant 0 : i32
        %dma_start3A_145 = arith.constant 0 : i32
        %dma_start3A_146 = tpu.memref_slice %arg4[%get3A_114, %dma_start3A_144, %dma_start3A_145] : memref<8x1x1536xf32, #tpu.memory_space<any>> -> memref<1x1x1536xf32, #tpu.memory_space<any>>
        %dma_start3A_147 = tpu.memref_squeeze %dma_start3A_146 : memref<1x1x1536xf32, #tpu.memory_space<any>> -> memref<1x1536xf32, #tpu.memory_space<any>>
        tpu.enqueue_dma source(%dma_start3A_147 : memref<1x1536xf32, #tpu.memory_space<any>>) target(%dma_start3A_143 : memref<1x1536xf32, #tpu.memory_space<vmem>>) target_semaphore(%dma_start3A_139 : memref<!tpu.dma_semaphore, #tpu.memory_space<semaphore_mem>>)
        %dma_start3A_148 = tpu.memref_slice %arg15[%rem3A_118] : memref<2x!tpu.dma_semaphore, #tpu.memory_space<semaphore_mem>> -> memref<1x!tpu.dma_semaphore, #tpu.memory_space<semaphore_mem>>
        %dma_start3A_149 = tpu.memref_squeeze %dma_start3A_148 : memref<1x!tpu.dma_semaphore, #tpu.memory_space<semaphore_mem>> -> memref<!tpu.dma_semaphore, #tpu.memory_space<semaphore_mem>>
        %dma_start3A_150 = arith.constant 0 : i32
        %dma_start3A_151 = arith.constant 0 : i32
        %dma_start3A_152 = tpu.memref_slice %arg11[%rem3A_118, %dma_start3A_150, %dma_start3A_151] : memref<2x1x768xf32, #tpu.memory_space<vmem>> -> memref<1x1x768xf32, #tpu.memory_space<vmem>>
        %dma_start3A_153 = tpu.memref_squeeze %dma_start3A_152 : memref<1x1x768xf32, #tpu.memory_space<vmem>> -> memref<1x768xf32, #tpu.memory_space<vmem>>
        %dma_start3A_154 = arith.constant 0 : i32
        %dma_start3A_155 = arith.constant 0 : i32
        %dma_start3A_156 = tpu.memref_slice %arg6[%get3A_114, %dma_start3A_154, %dma_start3A_155] : memref<8x1x768xf32, #tpu.memory_space<any>> -> memref<1x1x768xf32, #tpu.memory_space<any>>
        %dma_start3A_157 = tpu.memref_squeeze %dma_start3A_156 : memref<1x1x768xf32, #tpu.memory_space<any>> -> memref<1x768xf32, #tpu.memory_space<any>>
        tpu.enqueue_dma source(%dma_start3A_157 : memref<1x768xf32, #tpu.memory_space<any>>) target(%dma_start3A_153 : memref<1x768xf32, #tpu.memory_space<vmem>>) target_semaphore(%dma_start3A_149 : memref<!tpu.dma_semaphore, #tpu.memory_space<semaphore_mem>>)
      } else {
      }
      %add3A_104 = arith.constant 1 : i32
      %add3A_105 = arith.addi %get3A_57, %add3A_104 : i32
      %swap3A_106 = arith.constant 0 : index
      %swap3A_107 = memref.load %arg16[%swap3A_106] : memref<1xi32, #tpu.memory_space<smem>>
      memref.store %add3A_105, %arg16[%swap3A_106] : memref<1xi32, #tpu.memory_space<smem>>
    } else {
    }
    %get3A_17 = arith.constant 0 : index
    %get3A_18 = memref.load %arg16[%get3A_17] : memref<1xi32, #tpu.memory_space<smem>>
    %sub3A_19 = arith.constant 1 : i32
    %sub3A_20 = arith.subi %get3A_18, %sub3A_19 : i32
    %rem3A = arith.constant 2 : i32
    %rem3A_21 = arith.remsi %sub3A_20, %rem3A : i32
    %get3A_22 = arith.constant 0 : index
    %get3A_23 = arith.constant 0 : index
    %get3A_24 = vector.load %arg2[%get3A_22, %get3A_23] : memref<256x768xf32, #tpu.memory_space<vmem>>, vector<256x768xf32>
    %get3A_25 = arith.index_cast %rem3A_21 : i32 to index
    %get3A_26 = arith.constant 0 : index
    %get3A_27 = arith.constant 0 : index
    %get3A_28 = vector.load %arg8[%get3A_25, %get3A_26, %get3A_27] : memref<2x768x1536xf32, #tpu.memory_space<vmem>>, vector<1x768x1536xf32>
    %get3A_29 = vector.shape_cast %get3A_28 : vector<1x768x1536xf32> to vector<768x1536xf32>
    %dot_general3A = arith.constant dense<0.000000e+00> : vector<256x1536xf32>
    %dot_general3A_30 = tpu.matmul %get3A_24, %get3A_29, %dot_general3A {dimension_numbers = #tpu.dot_dimension_numbers<[1], [0], [0], [1], [0, 0, 1, 1], [], []>, transpose_lhs_hint = false} : vector<256x768xf32>, vector<768x1536xf32>, vector<256x1536xf32> -> vector<256x1536xf32>
    %get3A_31 = arith.index_cast %rem3A_21 : i32 to index
    %get3A_32 = arith.constant 0 : index
    %get3A_33 = arith.constant 0 : index
    %get3A_34 = vector.load %arg10[%get3A_31, %get3A_32, %get3A_33] : memref<2x1x1536xf32, #tpu.memory_space<vmem>>, vector<1x1x1536xf32>
    %get3A_35 = vector.shape_cast %get3A_34 : vector<1x1x1536xf32> to vector<1x1536xf32>
    %add3A = vector.broadcast %get3A_35 : vector<1x1536xf32> to vector<256x1536xf32>
    %add3A_36 = arith.addf %dot_general3A_30, %add3A : vector<256x1536xf32>
    %max3A_37 = arith.constant 0.000000e+00 : f32
    %max3A_38 = vector.broadcast %max3A_37 : f32 to vector<256x1536xf32>
    %max3A_39 = arith.maximumf %add3A_36, %max3A_38 : vector<256x1536xf32>
    %get3A_40 = arith.index_cast %rem3A_21 : i32 to index
    %get3A_41 = arith.constant 0 : index
    %get3A_42 = arith.constant 0 : index
    %get3A_43 = vector.load %arg9[%get3A_40, %get3A_41, %get3A_42] : memref<2x1536x768xf32, #tpu.memory_space<vmem>>, vector<1x1536x768xf32>
    %get3A_44 = vector.shape_cast %get3A_43 : vector<1x1536x768xf32> to vector<1536x768xf32>
    %dot_general3A_45 = arith.constant dense<0.000000e+00> : vector<256x768xf32>
    %dot_general3A_46 = tpu.matmul %max3A_39, %get3A_44, %dot_general3A_45 {dimension_numbers = #tpu.dot_dimension_numbers<[1], [0], [0], [1], [0, 0, 1, 1], [], []>, transpose_lhs_hint = false} : vector<256x1536xf32>, vector<1536x768xf32>, vector<256x768xf32> -> vector<256x768xf32>
    %get3A_47 = arith.index_cast %rem3A_21 : i32 to index
    %get3A_48 = arith.constant 0 : index
    %get3A_49 = arith.constant 0 : index
    %get3A_50 = vector.load %arg11[%get3A_47, %get3A_48, %get3A_49] : memref<2x1x768xf32, #tpu.memory_space<vmem>>, vector<1x1x768xf32>
    %get3A_51 = vector.shape_cast %get3A_50 : vector<1x1x768xf32> to vector<1x768xf32>
    %add3A_52 = vector.broadcast %get3A_51 : vector<1x768xf32> to vector<256x768xf32>
    %add3A_53 = arith.addf %dot_general3A_46, %add3A_52 : vector<256x768xf32>
    %swap3A = arith.constant 0 : index
    %swap3A_54 = arith.constant 0 : index
    %swap3A_55 = vector.load %arg7[%swap3A, %swap3A_54] : memref<256x768xf32, #tpu.memory_space<vmem>>, vector<256x768xf32>
    tpu.vector_store %arg7[%swap3A, %swap3A_54], %add3A_53 {strides = array<i32>} : memref<256x768xf32, #tpu.memory_space<vmem>>, vector<256x768xf32>,
    return
  }
  func.func @transform_0(%arg0: i32, %arg1: memref<1x64xi32, #tpu.memory_space<smem>>) -> (i32, i32) {
    %c0_i32 = arith.constant 0 : i32
    %c0_i32_0 = arith.constant 0 : i32
    return %arg0, %c0_i32 : i32, i32
  }
  func.func @transform_5(%arg0: i32, %arg1: memref<1x64xi32, #tpu.memory_space<smem>>) -> (i32, i32) {
    %c0_i32 = arith.constant 0 : i32
    %c0_i32_0 = arith.constant 0 : i32
    return %arg0, %c0_i32 : i32, i32
  }
}

module attributes {stable_mosaic.version = 14 : i64} {
  func.func @_combine_body(%arg0: i32, %arg1: memref<2x512x768xf32, #tpu.memory_space<vmem>>, %arg2: memref<2x512x1xf32, #tpu.memory_space<vmem>>, %arg3: memref<512x768xf32, #tpu.memory_space<vmem>>) attributes {dimension_semantics = [#tpu.dimension_semantics<arbitrary>], iteration_bounds = array<i64: 4>, scalar_prefetch = 0 : i64, scratch_operands = 0 : i64, tpu.core_type = #tpu.core_type<tc>, window_params = [{transform_indices = @transform_0, window_bounds = array<i64: 2, 512, 768>}, {transform_indices = @transform_1, window_bounds = array<i64: 2, 512, 1>}, {transform_indices = @transform_2, window_bounds = array<i64: 512, 768>}]} {
    %get3A = arith.constant 0 : index
    %get3A_0 = arith.constant 0 : index
    %get3A_1 = arith.constant 0 : index
    %get3A_2 = vector.load %arg2[%get3A, %get3A_0, %get3A_1] : memref<2x512x1xf32, #tpu.memory_space<vmem>>, vector<2x512x1xf32>
    %get3A_3 = arith.constant 0 : index
    %get3A_4 = arith.constant 0 : index
    %get3A_5 = arith.constant 0 : index
    %get3A_6 = vector.load %arg1[%get3A_3, %get3A_4, %get3A_5] : memref<2x512x768xf32, #tpu.memory_space<vmem>>, vector<1x512x768xf32>
    %get3A_7 = vector.shape_cast %get3A_6 : vector<1x512x768xf32> to vector<512x768xf32>
    %slice3A = vector.extract_strided_slice %get3A_2 {offsets = [0, 0, 0], sizes = [1, 512, 1], strides = [1, 1, 1]} : vector<2x512x1xf32> to vector<1x512x1xf32>
    %squeeze3A = vector.shape_cast %slice3A : vector<1x512x1xf32> to vector<512x1xf32>
    %mul3A = vector.broadcast %squeeze3A : vector<512x1xf32> to vector<512x768xf32>
    %mul3A_8 = arith.mulf %get3A_7, %mul3A : vector<512x768xf32>
    %get3A_9 = arith.constant 1 : index
    %get3A_10 = arith.constant 0 : index
    %get3A_11 = arith.constant 0 : index
    %get3A_12 = vector.load %arg1[%get3A_9, %get3A_10, %get3A_11] : memref<2x512x768xf32, #tpu.memory_space<vmem>>, vector<1x512x768xf32>
    %get3A_13 = vector.shape_cast %get3A_12 : vector<1x512x768xf32> to vector<512x768xf32>
    %slice3A_14 = vector.extract_strided_slice %get3A_2 {offsets = [1, 0, 0], sizes = [1, 512, 1], strides = [1, 1, 1]} : vector<2x512x1xf32> to vector<1x512x1xf32>
    %squeeze3A_15 = vector.shape_cast %slice3A_14 : vector<1x512x1xf32> to vector<512x1xf32>
    %mul3A_16 = vector.broadcast %squeeze3A_15 : vector<512x1xf32> to vector<512x768xf32>
    %mul3A_17 = arith.mulf %get3A_13, %mul3A_16 : vector<512x768xf32>
    %add3A = arith.addf %mul3A_8, %mul3A_17 : vector<512x768xf32>
    %swap3A = arith.constant 0 : index
    %swap3A_18 = arith.constant 0 : index
    %swap3A_19 = vector.load %arg3[%swap3A, %swap3A_18] : memref<512x768xf32, #tpu.memory_space<vmem>>, vector<512x768xf32>
    tpu.vector_store %arg3[%swap3A, %swap3A_18], %add3A {strides = array<i32>} : memref<512x768xf32, #tpu.memory_space<vmem>>, vector<512x768xf32>,
    return
  }
  func.func @transform_0(%arg0: i32) -> (i32, i32, i32) {
    %c0_i32 = arith.constant 0 : i32
    %c0_i32_0 = arith.constant 0 : i32
    %c0_i32_1 = arith.constant 0 : i32
    return %c0_i32, %arg0, %c0_i32_0 : i32, i32, i32
  }
  func.func @transform_1(%arg0: i32) -> (i32, i32, i32) {
    %c0_i32 = arith.constant 0 : i32
    %c0_i32_0 = arith.constant 0 : i32
    %c0_i32_1 = arith.constant 0 : i32
    return %c0_i32, %arg0, %c0_i32_0 : i32, i32, i32
  }
  func.func @transform_2(%arg0: i32) -> (i32, i32) {
    %c0_i32 = arith.constant 0 : i32
    %c0_i32_0 = arith.constant 0 : i32
    return %arg0, %c0_i32 : i32, i32
  }
}

</mosaic_0001>

<sc_bundles>
// kernel: kernel.10.cloned.1.call-start
scs
__scs_entry_jumppad:
0x0: {  	(pc) =	sbr.rel $0x88, $3  }
0x1: {  	(tag) =	ssettag $0x0;
	lr =	simm.s32 $0x1  }
0x2: {  	[smem:$0x3F9A] =	sst lr;
	_ =	strace $0xD0000000  }
0x3: {  	_ = 	snop  }
0x4: {  	_ = 	snop  }
0x5: {  	_ = 	snop  }
0x6: {  	_ = 	snop  }
0x7: {  	_ = 	snop  }
__scs_overlays_trampoline_lowered:
0x8: {  	[smem:$0x3FA9] =	sst s0  }
0x9: {  	[smem:$0x3FAA] =	sst s1  }
0xa: {  	[smem:$0x3FAB] =	sst s2  }
0xb: {  	[smem:$0x3FAC] =	sst s3  }
0xc: {  	[smem:$0x3FAD] =	sst s4  }
0xd: {  	[smem:$0x3FAE] =	sst s5  }
0xe: {  	[smem:$0x3FAF] =	sst s6  }
0xf: {  	[smem:$0x3FB0] =	sst s7  }
0x10: {  	[smem:$0x3FB1] =	sst s8  }
0x11: {  	[smem:$0x3FB2] =	sst s9;
	s0 =	simm.s32 @!p0 $0x0  }
0x12: {  	s1 =	sld [smem:$0x3F98];
	s0 =	simm.s32 @p0 $0x1  }
0x13: {  	[smem:$0x3FB3] =	sst s0;
	s0 =	simm.s32 @!p1 $0x0  }
0x14: {  	s2 =	sld [smem:$0x3F97];
	s0 =	simm.s32 @p1 $0x1  }
0x15: {  	[smem:$0x3FB4] =	sst s0;
	s0 =	simm.s32 @!p2 $0x0  }
0x16: {  	s3 =	sld [smem:$0x3FDB];
	s0 =	simm.s32 @p2 $0x1  }
0x17: {  	s4 =	simm.s32 $0x1BF5;
	[smem:$0x3FB6] =	sst s0  }
0x18: {  	s0 =	sld [smem:$0x3F99];
	_ =	swait.ge [sflag:s4], $0x0  }
0x19: {  	s7 =	sld [smem:$0x3F9A]  }
0x1a: {  	s8 =	sadd.s32 $0xFFFFE003, lr  }
0x1b: {  	s9 =	sadd.s32 $0xFFFFFEF7, lr;
	s5 =	simm.s32 $0xFFFFFFFF;
	p2 =	slt.u32 s8, $0xFFFFF086  }
0x1c: {  	p1 =	slt.u32 s9, $0xF7A;
	s5 =	simm.s32 @!p2 $0x0  }
0x1d: {  	s5 =	simm.s32 @p1 $0x1;
	p0 =	seq.s32 s7, s2  }
0x1e: {  	s7 =	smul.u32 @!p0 $0xF7A, s2;
	p2 =	seq.s32 @!p0 s5, $0x0  }
0x1f: {  	s9 =	smul.u32 $0xF7A, s1;
	s8 =	simm.s32 @!p0 $0x1BF5;
	p2 =	por !p2, p0  }
0x20: {  	[sflag:s8] =	ssyncset.s32 @!p0 $0xFFFFF086;
	s6 =	sadd.s32 @!p0 s3, s7;
	s7 =	simm.s32 @!p0 $0x108  }
0x21: {  	s3 =	sadd.s32 s3, s9;
	s6 =	sadd.s32 @!p0 $0x88, s6;
	s7 =	simm.s32 @p2 $0x1082  }
0x22: {  	[simem:s7], [sflag:s8] =	dma.local @!p0 [hbm:s6], $0xF7A  }
0x23: {  	s9 =	sor.u32 $0xD0000000, s2;
	s6 =	simm.s32 $0x108;
	_ =	swait.ge @!p0 [sflag:s8], $0x0  }
0x24: {  	s3 =	sadd.s32 $0x88, s3;
	s6 =	simm.s32 @!p1 $0x1082;
	[sflag:s4] =	ssyncset.s32 $0xFFFFF086  }
0x25: {  	[simem:s6], [sflag:s4] =	dma.local [hbm:s3], $0xF7A  }
0x26: {  	[smem:$0x3F9A] =	sst s1;
	(tag) =	ssettag s2;
	_ =	strace s9  }
0x27: {  	s1 =	sld [smem:$0x3FAA]  }
0x28: {  	s2 =	sld [smem:$0x3FAB]  }
0x29: {  	s4 =	sld [smem:$0x3FAD]  }
0x2a: {  	p0 =	seq.s32 s5, $0x0;
	s5 =	sld [smem:$0x3FAE]  }
0x2b: {  	s6 =	sld [smem:$0x3FAF]  }
0x2c: {  	s7 =	sld [smem:$0x3FB0]  }
0x2d: {  	s3 =	simm.s32 $0x108;
	s8 =	sld [smem:$0x3FB1]  }
0x2e: {  	s3 =	simm.s32 @!p0 $0x1082;
	s9 =	sld [smem:$0x3FB2]  }
0x2f: {  	lr =	sadd.s32 s0, s3;
	s0 =	sld [smem:$0x3FA9]  }
0x30: {  	s3 =	sld [smem:$0x3FAC]  }
0x31: {  	[smem:$0x3FB5] =	sst s10  }
0x32: {  	s10 =	sld [smem:$0x3FB3];
	_ =	sdelay $0x3  }
0x33: {  	p0 =	seq.s32 s10, $0x1;
	s10 =	sld [smem:$0x3FB5];
	_ =	sdelay $0x3  }
0x34: {  	[smem:$0x3FB5] =	sst s10  }
0x35: {  	s10 =	sld [smem:$0x3FB4];
	_ =	sdelay $0x3  }
0x36: {  	p1 =	seq.s32 s10, $0x1;
	s10 =	sld [smem:$0x3FB5];
	_ =	sdelay $0x3  }
0x37: {  	[smem:$0x3FB5] =	sst s10  }
0x38: {  	s10 =	sld [smem:$0x3FB6]  }
0x39: {  	_ = 	snop;
	(pc) =	sbr.ind lr, $3  }
0x3a: {  	_ = 	snop  }
0x3b: {  	_ = 	snop  }
0x3c: {  	p2 =	seq.s32 s10, $0x1;
	s10 =	sld [smem:$0x3FB5]  }
0x3d: {  	_ =	shalt  }
0x3e: {  	_ =	shalt  }
0x3f: {  	_ =	shalt  }
0x40: {  	_ =	shalt  }
0x41: {  	_ =	shalt  }
0x42: {  	_ =	shalt  }
0x43: {  	_ =	shalt  }
0x44: {  	_ =	shalt  }
0x45: {  	_ =	shalt  }
0x46: {  	_ =	shalt  }
0x47: {  	_ =	shalt  }
0x48: {  	_ =	shalt  }
0x49: {  	_ =	shalt  }
0x4a: {  	_ =	shalt  }
0x4b: {  	_ =	shalt  }
0x4c: {  	_ =	shalt  }
0x4d: {  	_ =	shalt  }
0x4e: {  	_ =	shalt  }
0x4f: {  	_ =	shalt  }
0x50: {  	_ =	shalt  }
0x51: {  	_ =	shalt  }
0x52: {  	_ =	shalt  }
0x53: {  	_ =	shalt  }
0x54: {  	_ =	shalt  }
0x55: {  	_ =	shalt  }
0x56: {  	_ =	shalt  }
0x57: {  	_ =	shalt  }
0x58: {  	_ =	shalt  }
0x59: {  	_ =	shalt  }
0x5a: {  	_ =	shalt  }
0x5b: {  	_ =	shalt  }
0x5c: {  	_ =	shalt  }
0x5d: {  	_ =	shalt  }
0x5e: {  	_ =	shalt  }
0x5f: {  	_ =	shalt  }
0x60: {  	_ =	shalt  }
0x61: {  	_ =	shalt  }
0x62: {  	_ =	shalt  }
0x63: {  	_ =	shalt  }
0x64: {  	_ =	shalt  }
0x65: {  	_ =	shalt  }
0x66: {  	_ =	shalt  }
0x67: {  	_ =	shalt  }
0x68: {  	_ =	shalt  }
0x69: {  	_ =	shalt  }
0x6a: {  	_ =	shalt  }
0x6b: {  	_ =	shalt  }
0x6c: {  	_ =	shalt  }
0x6d: {  	_ =	shalt  }
0x6e: {  	_ =	shalt  }
0x6f: {  	_ =	shalt  }
0x70: {  	_ =	shalt  }
0x71: {  	_ =	shalt  }
0x72: {  	_ =	shalt  }
0x73: {  	_ =	shalt  }
0x74: {  	_ =	shalt  }
0x75: {  	_ =	shalt  }
0x76: {  	_ =	shalt  }
0x77: {  	_ =	shalt  }
0x78: {  	_ =	shalt  }
0x79: {  	_ =	shalt  }
0x7a: {  	_ =	shalt  }
0x7b: {  	_ =	shalt  }
0x7c: {  	_ =	shalt  }
0x7d: {  	_ =	shalt  }
0x7e: {  	_ =	shalt  }
0x7f: {  	_ =	shalt  }
0x80: {  	_ =	shalt  }
0x81: {  	_ =	shalt  }
0x82: {  	_ =	shalt  }
0x83: {  	_ =	shalt  }
0x84: {  	_ =	shalt  }
0x85: {  	_ =	shalt  }
0x86: {  	_ =	shalt  }
0x87: {  	_ =	shalt  }
.Lfunc_end0:
.L_simem_size_0:
called_computation.1_lowered:
.L_overlay_start_0:
0x88: {  	s2 =	sld [smem:$0x3FD9]  }
0x89: {  	s3 =	sld [smem:$0x3FFE];
	_ =	sdelay $0x1  }
0x8a: {  	s1 =	srdreg.scid  }
0x8b: {  	s0 =	sand.u32 $0x1, s1  }
0x8c: {  	s17 =	sshll.u32 s0, $0xA;
	s2 =	sadd.s32 s3, s2  }
0x8d: {  	s2 =	sadd.s32 s2, s17  }
0x8e: {  	[smem:$0x3FC1] =	sst s2  }
0x8f: {  	_ = 	snop  }
0x90: {  	s2 =	sld [smem:$0x3FD0];
	(tm) =	ssettm $0x1  }
0x91: {  	s18 =	sld [smem:$0x3FFB];
	_ =	sdelay $0x3  }
0x92: {  	_ =	strace s18  }
0x93: {  	s3 =	sld [smem:$0x3FFC];
	_ =	sdelay $0x3  }
0x94: {  	_ =	strace s3  }
0x95: {  	s3 =	sld [smem:$0x3FFD];
	_ =	sdelay $0x3  }
0x96: {  	_ =	strace s3  }
0x97: {  	_ =	strace $0x8FFFFFFF  }
0x98: {  	s19 =	sld [smem:$0x3FDB];
	_ =	sdelay $0x1  }
0x99: {  	s4 =	simm.s32 $_scs_section_size  }
0x9a: {  	s5 =	simm.s32 $_size__tile_overlayer_lowered;
	s6 =	simm.s32 $_tile_overlayer_lowered  }
0x9b: {  	s22 =	simm.s32 $0x1BFF;
	s21 =	sshll.u32 s6, $0x1;
	s3 =	sadd.s32 s4, s19  }
0x9c: {  	s7 =	simm.s32 $0x0;
	s20 =	sshll.u32 s5, $0x1;
	s5 =	sadd.s32 s21, s3  }
0x9d: {  	[timem:s7], [sflag:s22] =	dma.local [hbm:s5], s20  }
0x9e: {  	_ =	swait.ge [sflag:s22], s20  }
0x9f: {  	s4 =	ssub.s32 $0x0, s20;
	[sflag:s22] =	ssyncset.done $0x0  }
0xa0: {  	[sflag:s22] =	ssyncadd.s32 s4;
	_ =	sdelay $0x1  }
0xa1: {  	s23 =	simm.s32 $0x1B8B  }
0xa2: {  	_ =	swait.ge [sflag:s23], $0x1  }
0xa3: {  	[sflag:s23] =	ssyncset.done $0x0  }
0xa4: {  	s25 =	simm.s32 $0x1B8E;
	s24 =	sld [smem:$0x3FFE];
	[sflag:s23] =	ssyncadd.s32 $0xFFFFFFFF  }
0xa5: {  	s26 =	simm.s32 $execute0_lowered;
	[smem:$0x3FD2] =	sst s25  }
0xa6: {  	s5 =	sshll.u32 s26, $0x1;
	_ =	strace $0x80000049;
	[dreg:$0x1] =	wrdreg $0xFFFFFFFF  }
0xa7: {  	s28 =	simm.s32 $_size_execute0_lowered;
	s3 =	sadd.s32 s3, s5;
	[dreg:$0x0] =	wrdreg $0x0  }
0xa8: {  	s5 =	sshll.u32 s28, $0x1;
	[dreg:$0x2] =	wrdreg s3  }
0xa9: {  	[dreg:$0x3] =	wrdreg s5  }
0xaa: {  	[dreg:$0x4] =	wrdreg $0xC0  }
0xab: {  	_ =	task [dreg:s7], $0x5FFFF  }
0xac: {  	[dreg:$0x1] =	wrdreg $0xFFFFFFFF  }
0xad: {  	[dreg:$0x0] =	wrdreg $0x60  }
0xae: {  	[dreg:$0x2] =	wrdreg s24  }
0xaf: {  	[dreg:$0x3] =	wrdreg s2  }
0xb0: {  	[dreg:$0x4] =	wrdreg $0x9  }
0xb1: {  	_ =	task.clear_ibuf [dreg:s7], $0x5FFFF;
	_ =	strace $0x90000049  }
0xb2: {  	s29 =	simm.s32 $0x9;
	_ =	strace $0x8000004B  }
0xb3: {  	_ =	swait.ge [sflag:s29], $0x1  }
0xb4: {  	[sflag:s29] =	ssyncadd.s32 $0xFFFFFFFF  }
0xb5: {  	_ =	strace $0x9000004B  }
0xb6: {  	_ =	sfence  }
0xb7: {  	s30 =	sld [smem:$0x0];
	_ =	sdelay $0x2  }
0xb8: {  	s31 =	sshll.u32 s1, $0xD;
	s1 =	sshrl.u32 s1, $0x2  }
0xb9: {  	s3 =	sand.u32 $0x4000, s31;
	s1 =	sadd.s32 s1, s30  }
0xba: {  	s0 =	sor.u32 s3, s0;
	s1 =	sshll.u32 s1, $0x11  }
0xbb: {  	s0 =	sor.u32 s1, s0  }
0xbc: {  	s0 =	sadd.s32 $0x8F2B, s0  }
0xbd: {  	[sflag:s0] =	ssyncadd.remote.s32 $0x1  }
0xbe: {  	_ =	sfence.sel $0xFFFF  }
0xbf: {  	[dreg:$0x0] =	wrdreg $0xFFFFFFFF;
	(pc) =	sbr.abs _section_cstart, $3  }
0xc0: {  	[dreg:$0x1] =	wrdreg $0xFFFFFFFF  }
0xc1: {  	_ =	task.clear_ibuf [dreg:s7], $0x2FFFF;
	_ =	strace $0x9FFFFFFF  }
0xc2: {  	(tm) =	ssettm $0x7FFFFFFF  }
0xc3: {  	_ =	shalt  }
tec
execute0_lowered:
.L_overlay_start_1:
0x0: {  	(tag) =	ssettag $0x1  }
0x1: {  	s0 =	rddreg [dreg:$0x0]  }
0x2: {  	s3 =	rddreg [dreg:$0x1];
	s2 =	simm.s32 $0x0  }
0x3: {  	s24 =	simm.s32 $0x18000;
	[smem:$0x7FF] =	sst s2  }
0x4: {  	s25 =	simm.s32 $0x18080;
	_ =	strace $0x8000004A;
	[dreg:$0x7] =	wrdreg s24  }
0x5: {  	s1 =	stileid.u32;
	s26 =	simm.s32 $0x800;
	[dreg:$0x8] =	wrdreg s25  }
0x6: {  	s5 =	sshll.u32 s1, $0x4;
	s1 =	simm.s32 $0x1000;
	[dreg:$0x9] =	wrdreg s26  }
0x7: {  	s9 =	simm.s32 $0x3800;
	[dreg:$0xa] =	wrdreg s1  }
0x8: {  	s10 =	simm.s32 $0x4000;
	[dreg:$0xf] =	wrdreg s9  }
0x9: {  	s11 =	simm.s32 $0x4800;
	[dreg:$0x10] =	wrdreg s10  }
0xa: {  	s12 =	simm.s32 $0x5000;
	[dreg:$0x11] =	wrdreg s11  }
0xb: {  	s13 =	simm.s32 $0x5800;
	[dreg:$0x12] =	wrdreg s12  }
0xc: {  	s4 =	srdreg.scid;
	s14 =	simm.s32 $0x6000;
	[dreg:$0x13] =	wrdreg s13  }
0xd: {  	s15 =	simm.s32 $0x6800;
	s16 =	simm.s32 $0x7000;
	[dreg:$0x14] =	wrdreg s14  }
0xe: {  	s17 =	simm.s32 $0x7800;
	s18 =	simm.s32 $0x8000;
	[dreg:$0x15] =	wrdreg s15  }
0xf: {  	s19 =	simm.s32 $0x8800;
	s20 =	simm.s32 $0x9000;
	[dreg:$0x16] =	wrdreg s16  }
0x10: {  	s28 =	simm.s32 $0x15800;
	s29 =	simm.s32 $0x16000;
	[dreg:$0x17] =	wrdreg s17  }
0x11: {  	s30 =	simm.s32 $0x16800;
	s31 =	simm.s32 $0x17000;
	[dreg:$0x18] =	wrdreg s18  }
0x12: {  	s4 =	sand.u32 $0x1, s4;
	s7 =	sadd.s32 $0x91600, s0;
	[dreg:$0x19] =	wrdreg s19  }
0x13: {  	s6 =	sshll.u32 s4, $0x3;
	s4 =	ssub.s32 $0x2, s4;
	[dreg:$0x1a] =	wrdreg s20  }
0x14: {  	s24 =	simm.s32 $0xA800;
	s25 =	simm.s32 $0xB000;
	s26 =	simm.s32 $0xB800  }
0x15: {  	s12 =	simm.s32 $0xE000;
	s13 =	simm.s32 $0xE800;
	s14 =	simm.s32 $0xF000  }
0x16: {  	s15 =	simm.s32 $0xF800;
	s16 =	simm.s32 $0x10000;
	s17 =	simm.s32 $0x10800  }
0x17: {  	s18 =	simm.s32 $0x11000;
	s19 =	simm.s32 $0x11800;
	[dreg:$0x1d] =	wrdreg s24  }
0x18: {  	s20 =	simm.s32 $0x12000;
	s5 =	sor.u32 s6, s5;
	[dreg:$0x1e] =	wrdreg s25  }
0x19: {  	[dreg:$0x1f] =	wrdreg s26;
	s6 =	sadd.s32 s3, s5;
	s8 =	sor.u32 $0x100, s5  }
0x1a: {  	s24 =	simm.s32 $0x14000;
	[dreg:$0x3] =	wrdreg s6;
	s3 =	sadd.s32 s3, s8  }
0x1b: {  	s5 =	smul.u32 $0x300, s5;
	s6 =	simm.s32 $0x2000;
	[dreg:$0x4] =	wrdreg s3  }
0x1c: {  	s21 =	smul.u32 $0x300, s8;
	s8 =	simm.s32 $0x3000;
	[dreg:$0xc] =	wrdreg s6  }
0x1d: {  	s25 =	simm.s32 $0x14800;
	s22 =	sadd.s32 s7, s5;
	[dreg:$0xe] =	wrdreg s8  }
0x1e: {  	s26 =	simm.s32 $0x15000;
	s5 =	simm.s32 $0x1800;
	[dreg:$0x5] =	wrdreg s22  }
0x1f: {  	s3 =	sadd.s32 $0x1600, s0;
	s23 =	sadd.s32 s7, s21;
	[dreg:$0xb] =	wrdreg s5  }
0x20: {  	s8 =	simm.s32 $0xC000;
	s7 =	simm.s32 $0x2800;
	[dreg:$0x6] =	wrdreg s23  }
0x21: {  	s21 =	simm.s32 $0x9800;
	s22 =	sshrl.u32 s4, $0x1;
	[dreg:$0xd] =	wrdreg s7  }
0x22: {  	s5 =	sadd.s32 $0x1800, s0;
	[dreg:$0x1b] =	wrdreg s21;
	s23 =	simm.s32 $0xA000  }
0x23: {  	v2 =	vlaneseq.u32;
	s6 =	ssub.s32 s4, s22;
	s4 =	sadd.s32 $0x1700, s0;
	s7 =	simm.s32 $0x1  }
0x24: {  	vm0 =	vmmov $0xffff;
	v1 =	vshrl.u32 v2, $0x3;
	s21 =	simm.s32 $0x12800;
	s22 =	simm.s32 $0x13000;
	s0 =	simm.s32 $0x17800  }
0x25: {  	v0 =	vand.u32 $0x7, v2;
	v2 =	vor.u32 $0x8, v2;
	v1 =	vmul.u32 $0x8, v1;
	[dreg:$0x1c] =	wrdreg s23;
	s6 =	smax.u32 s6, $0x1;
	s23 =	simm.s32 $0x13800  }
.LBB2_1:
0x26: {  	s1 =	rddreg [dreg:$0x3]  }
0x27: {  	s9 =	rddreg [dreg:$0x7]  }
0x28: {  	s10 =	rddreg [dreg:$0x4]  }
0x29: {  	[tilespmem:s9], [sflag:$0x1] =	stream.linear.gather [hbm4b:s1+s2], $0x40, $0x38;
	[tilespmem:$0x18100] =	vst v63  }
0x2a: {  	s11 =	rddreg [dreg:$0x8]  }
0x2b: {  	[tilespmem:s11], [sflag:$0x1] =	stream.linear.gather [hbm4b:s10+s2], $0x40, $0x38;
	[tilespmem:$0x18100] =	vst v63  }
0x2c: {  	_ =	swait.ge [sflag:s7], $0x40  }
0x2d: {  	[sflag:s7] =	ssyncset.done $0x0  }
0x2e: {  	[sflag:s7] =	ssyncadd.s32 $0xFFFFFFC0  }
0x2f: {  	_ =	swait.ge [sflag:s7], $0x40  }
0x30: {  	[sflag:s7] =	ssyncset.done $0x0  }
0x31: {  	[sflag:s7] =	ssyncadd.s32 $0xFFFFFFC0  }
0x32: {  	v3 =	vld [tilespmem:$0x18000];
	_ =	sdelay $0x4  }
0x33: {  	v4 =	vshrl.u32 v3, $0x3  }
0x34: {  	v4 =	vmul.u32 $0x30, v4  }
0x35: {  	v3 =	vand.u32 $0x7, v3  }
0x36: {  	v3 =	vor.u32 v3, v4  }
0x37: {  	v4 =	vperm.xlane v3, v0;
	_ =	sdelay $0x1  }
0x38: {  	v4 =	vadd.s32 v1, v4;
	_ =	sdelay $0x3  }
0x39: {  	v3 =	vperm.xlane v3, v2  }
0x3a: {  	[tilespmem:s2], [sflag:$0x1] =	stream.indirect_vreg.gather [hbm4b:s3+s2], $0x80, v4, vm0, $0xb8;
	[tilespmem:$0x18100] =	vst v63  }
0x3b: {  	s9 =	rddreg [dreg:$0x9];
	v3 =	vadd.s32 v1, v3  }
0x3c: {  	[tilespmem:s9], [sflag:$0x1] =	stream.indirect_vreg.gather [hbm4b:s4+s2], $0x80, v4, vm0, $0xb8;
	[tilespmem:$0x18100] =	vst v63  }
0x3d: {  	s10 =	rddreg [dreg:$0xa]  }
0x3e: {  	[tilespmem:s10], [sflag:$0x1] =	stream.indirect_vreg.gather [hbm4b:s5+s2], $0x80, v4, vm0, $0xb8;
	[tilespmem:$0x18100] =	vst v63  }
0x3f: {  	s11 =	rddreg [dreg:$0xb]  }
0x40: {  	[tilespmem:s11], [sflag:$0x1] =	stream.indirect_vreg.gather [hbm4b:s3+s2], $0x80, v3, vm0, $0xb8;
	[tilespmem:$0x18100] =	vst v63  }
0x41: {  	s10 =	rddreg [dreg:$0xc]  }
0x42: {  	[tilespmem:s10], [sflag:$0x1] =	stream.indirect_vreg.gather [hbm4b:s4+s2], $0x80, v3, vm0, $0xb8;
	[tilespmem:$0x18100] =	vst v63  }
0x43: {  	s11 =	rddreg [dreg:$0xd]  }
0x44: {  	[tilespmem:s11], [sflag:$0x1] =	stream.indirect_vreg.gather [hbm4b:s5+s2], $0x80, v3, vm0, $0xb8;
	[tilespmem:$0x18100] =	vst v63  }
0x45: {  	v3 =	vld [tilespmem:$0x18010];
	_ =	sdelay $0x4  }
0x46: {  	v57 =	vshrl.u32 v3, $0x3  }
0x47: {  	v4 =	vmul.u32 $0x30, v57  }
0x48: {  	v3 =	vand.u32 $0x7, v3  }
0x49: {  	v3 =	vor.u32 v3, v4  }
0x4a: {  	v4 =	vperm.xlane v3, v0;
	_ =	sdelay $0x1  }
0x4b: {  	v4 =	vadd.s32 v1, v4;
	_ =	sdelay $0x3  }
0x4c: {  	s10 =	rddreg [dreg:$0xe];
	v3 =	vperm.xlane v3, v2  }
0x4d: {  	[tilespmem:s10], [sflag:$0x1] =	stream.indirect_vreg.gather [hbm4b:s3+s2], $0x80, v4, vm0, $0xb8;
	[tilespmem:$0x18100] =	vst v63  }
0x4e: {  	s11 =	rddreg [dreg:$0xf];
	v3 =	vadd.s32 v1, v3  }
0x4f: {  	[tilespmem:s11], [sflag:$0x1] =	stream.indirect_vreg.gather [hbm4b:s4+s2], $0x80, v4, vm0, $0xb8;
	[tilespmem:$0x18100] =	vst v63  }
0x50: {  	s10 =	rddreg [dreg:$0x10]  }
0x51: {  	[tilespmem:s10], [sflag:$0x1] =	stream.indirect_vreg.gather [hbm4b:s5+s2], $0x80, v4, vm0, $0xb8;
	[tilespmem:$0x18100] =	vst v63  }
0x52: {  	s11 =	rddreg [dreg:$0x11]  }
0x53: {  	[tilespmem:s11], [sflag:$0x1] =	stream.indirect_vreg.gather [hbm4b:s3+s2], $0x80, v3, vm0, $0xb8;
	[tilespmem:$0x18100] =	vst v63  }
0x54: {  	s10 =	rddreg [dreg:$0x12]  }
0x55: {  	[tilespmem:s10], [sflag:$0x1] =	stream.indirect_vreg.gather [hbm4b:s4+s2], $0x80, v3, vm0, $0xb8;
	[tilespmem:$0x18100] =	vst v63  }
0x56: {  	s11 =	rddreg [dreg:$0x13]  }
0x57: {  	[tilespmem:s11], [sflag:$0x1] =	stream.indirect_vreg.gather [hbm4b:s5+s2], $0x80, v3, vm0, $0xb8;
	[tilespmem:$0x18100] =	vst v63  }
0x58: {  	v3 =	vld [tilespmem:$0x18020];
	_ =	sdelay $0x4  }
0x59: {  	v58 =	vshrl.u32 v3, $0x3  }
0x5a: {  	v4 =	vmul.u32 $0x30, v58  }
0x5b: {  	v3 =	vand.u32 $0x7, v3  }
0x5c: {  	v3 =	vor.u32 v3, v4  }
0x5d: {  	v4 =	vperm.xlane v3, v0;
	_ =	sdelay $0x1  }
0x5e: {  	v4 =	vadd.s32 v1, v4;
	_ =	sdelay $0x3  }
0x5f: {  	s10 =	rddreg [dreg:$0x14];
	v3 =	vperm.xlane v3, v2  }
0x60: {  	[tilespmem:s10], [sflag:$0x1] =	stream.indirect_vreg.gather [hbm4b:s3+s2], $0x80, v4, vm0, $0xb8;
	[tilespmem:$0x18100] =	vst v63  }
0x61: {  	s11 =	rddreg [dreg:$0x15];
	v3 =	vadd.s32 v1, v3  }
0x62: {  	[tilespmem:s11], [sflag:$0x1] =	stream.indirect_vreg.gather [hbm4b:s4+s2], $0x80, v4, vm0, $0xb8;
	[tilespmem:$0x18100] =	vst v63  }
0x63: {  	s10 =	rddreg [dreg:$0x16]  }
0x64: {  	[tilespmem:s10], [sflag:$0x1] =	stream.indirect_vreg.gather [hbm4b:s5+s2], $0x80, v4, vm0, $0xb8;
	[tilespmem:$0x18100] =	vst v63  }
0x65: {  	s11 =	rddreg [dreg:$0x17]  }
0x66: {  	[tilespmem:s11], [sflag:$0x1] =	stream.indirect_vreg.gather [hbm4b:s3+s2], $0x80, v3, vm0, $0xb8;
	[tilespmem:$0x18100] =	vst v63  }
0x67: {  	s10 =	rddreg [dreg:$0x18]  }
0x68: {  	[tilespmem:s10], [sflag:$0x1] =	stream.indirect_vreg.gather [hbm4b:s4+s2], $0x80, v3, vm0, $0xb8;
	[tilespmem:$0x18100] =	vst v63  }
0x69: {  	s11 =	rddreg [dreg:$0x19]  }
0x6a: {  	[tilespmem:s11], [sflag:$0x1] =	stream.indirect_vreg.gather [hbm4b:s5+s2], $0x80, v3, vm0, $0xb8;
	[tilespmem:$0x18100] =	vst v63  }
0x6b: {  	v3 =	vld [tilespmem:$0x18030];
	_ =	sdelay $0x4  }
0x6c: {  	v59 =	vshrl.u32 v3, $0x3  }
0x6d: {  	v4 =	vmul.u32 $0x30, v59  }
0x6e: {  	v3 =	vand.u32 $0x7, v3  }
0x6f: {  	v3 =	vor.u32 v3, v4  }
0x70: {  	v4 =	vperm.xlane v3, v0;
	_ =	sdelay $0x1  }
0x71: {  	v4 =	vadd.s32 v1, v4;
	_ =	sdelay $0x3  }
0x72: {  	s10 =	rddreg [dreg:$0x1a];
	v3 =	vperm.xlane v3, v2  }
0x73: {  	[tilespmem:s10], [sflag:$0x1] =	stream.indirect_vreg.gather [hbm4b:s3+s2], $0x80, v4, vm0, $0xb8;
	[tilespmem:$0x18100] =	vst v63  }
0x74: {  	s11 =	rddreg [dreg:$0x1b];
	v3 =	vadd.s32 v1, v3  }
0x75: {  	[tilespmem:s11], [sflag:$0x1] =	stream.indirect_vreg.gather [hbm4b:s4+s2], $0x80, v4, vm0, $0xb8;
	[tilespmem:$0x18100] =	vst v63  }
0x76: {  	s10 =	rddreg [dreg:$0x1c]  }
0x77: {  	[tilespmem:s10], [sflag:$0x1] =	stream.indirect_vreg.gather [hbm4b:s5+s2], $0x80, v4, vm0, $0xb8;
	[tilespmem:$0x18100] =	vst v63  }
0x78: {  	s11 =	rddreg [dreg:$0x1d]  }
0x79: {  	[tilespmem:s11], [sflag:$0x1] =	stream.indirect_vreg.gather [hbm4b:s3+s2], $0x80, v3, vm0, $0xb8;
	[tilespmem:$0x18100] =	vst v63  }
0x7a: {  	s10 =	rddreg [dreg:$0x1e]  }
0x7b: {  	[tilespmem:s10], [sflag:$0x1] =	stream.indirect_vreg.gather [hbm4b:s4+s2], $0x80, v3, vm0, $0xb8;
	[tilespmem:$0x18100] =	vst v63  }
0x7c: {  	s11 =	rddreg [dreg:$0x1f]  }
0x7d: {  	[tilespmem:s11], [sflag:$0x1] =	stream.indirect_vreg.gather [hbm4b:s5+s2], $0x80, v3, vm0, $0xb8;
	[tilespmem:$0x18100] =	vst v63  }
0x7e: {  	v3 =	vld [tilespmem:$0x18080];
	_ =	sdelay $0x4  }
0x7f: {  	v60 =	vshrl.u32 v3, $0x3  }
0x80: {  	v4 =	vmul.u32 $0x30, v60  }
0x81: {  	v3 =	vand.u32 $0x7, v3  }
0x82: {  	v3 =	vor.u32 v3, v4  }
0x83: {  	v4 =	vperm.xlane v3, v0;
	_ =	sdelay $0x1  }
0x84: {  	v4 =	vadd.s32 v1, v4;
	_ =	sdelay $0x3  }
0x85: {  	v3 =	vperm.xlane v3, v2  }
0x86: {  	[tilespmem:s8], [sflag:$0x1] =	stream.indirect_vreg.gather [hbm4b:s3+s2], $0x80, v4, vm0, $0xb8;
	[tilespmem:$0x18100] =	vst v63  }
0x87: {  	s10 =	simm.s32 $0xC800;
	v3 =	vadd.s32 v1, v3  }
0x88: {  	[tilespmem:s10], [sflag:$0x1] =	stream.indirect_vreg.gather [hbm4b:s4+s2], $0x80, v4, vm0, $0xb8;
	[tilespmem:$0x18100] =	vst v63  }
0x89: {  	s11 =	simm.s32 $0xD000  }
0x8a: {  	[tilespmem:s11], [sflag:$0x1] =	stream.indirect_vreg.gather [hbm4b:s5+s2], $0x80, v4, vm0, $0xb8;
	[tilespmem:$0x18100] =	vst v63  }
0x8b: {  	s9 =	simm.s32 $0xD800  }
0x8c: {  	[tilespmem:s9], [sflag:$0x1] =	stream.indirect_vreg.gather [hbm4b:s3+s2], $0x80, v3, vm0, $0xb8;
	[tilespmem:$0x18100] =	vst v63  }
0x8d: {  	_ = 	snop  }
0x8e: {  	[tilespmem:s12], [sflag:$0x1] =	stream.indirect_vreg.gather [hbm4b:s4+s2], $0x80, v3, vm0, $0xb8;
	[tilespmem:$0x18100] =	vst v63  }
0x8f: {  	_ = 	snop  }
0x90: {  	[tilespmem:s13], [sflag:$0x1] =	stream.indirect_vreg.gather [hbm4b:s5+s2], $0x80, v3, vm0, $0xb8;
	[tilespmem:$0x18100] =	vst v63  }
0x91: {  	v3 =	vld [tilespmem:$0x18090];
	_ =	sdelay $0x4  }
0x92: {  	v61 =	vshrl.u32 v3, $0x3  }
0x93: {  	v4 =	vmul.u32 $0x30, v61  }
0x94: {  	v3 =	vand.u32 $0x7, v3  }
0x95: {  	v3 =	vor.u32 v3, v4  }
0x96: {  	v4 =	vperm.xlane v3, v0;
	_ =	sdelay $0x1  }
0x97: {  	v4 =	vadd.s32 v1, v4;
	_ =	sdelay $0x3  }
0x98: {  	v3 =	vperm.xlane v3, v2  }
0x99: {  	[tilespmem:s14], [sflag:$0x1] =	stream.indirect_vreg.gather [hbm4b:s3+s2], $0x80, v4, vm0, $0xb8;
	[tilespmem:$0x18100] =	vst v63  }
0x9a: {  	v3 =	vadd.s32 v1, v3  }
0x9b: {  	[tilespmem:s15], [sflag:$0x1] =	stream.indirect_vreg.gather [hbm4b:s4+s2], $0x80, v4, vm0, $0xb8;
	[tilespmem:$0x18100] =	vst v63  }
0x9c: {  	_ = 	snop  }
0x9d: {  	[tilespmem:s16], [sflag:$0x1] =	stream.indirect_vreg.gather [hbm4b:s5+s2], $0x80, v4, vm0, $0xb8;
	[tilespmem:$0x18100] =	vst v63  }
0x9e: {  	_ = 	snop  }
0x9f: {  	[tilespmem:s17], [sflag:$0x1] =	stream.indirect_vreg.gather [hbm4b:s3+s2], $0x80, v3, vm0, $0xb8;
	[tilespmem:$0x18100] =	vst v63  }
0xa0: {  	_ = 	snop  }
0xa1: {  	[tilespmem:s18], [sflag:$0x1] =	stream.indirect_vreg.gather [hbm4b:s4+s2], $0x80, v3, vm0, $0xb8;
	[tilespmem:$0x18100] =	vst v63  }
0xa2: {  	_ = 	snop  }
0xa3: {  	[tilespmem:s19], [sflag:$0x1] =	stream.indirect_vreg.gather [hbm4b:s5+s2], $0x80, v3, vm0, $0xb8;
	[tilespmem:$0x18100] =	vst v63  }
0xa4: {  	v3 =	vld [tilespmem:$0x180A0];
	_ =	sdelay $0x4  }
0xa5: {  	v62 =	vshrl.u32 v3, $0x3  }
0xa6: {  	v4 =	vmul.u32 $0x30, v62  }
0xa7: {  	v3 =	vand.u32 $0x7, v3  }
0xa8: {  	v3 =	vor.u32 v3, v4  }
0xa9: {  	v4 =	vperm.xlane v3, v0;
	_ =	sdelay $0x1  }
0xaa: {  	v4 =	vadd.s32 v1, v4;
	_ =	sdelay $0x3  }
0xab: {  	v3 =	vperm.xlane v3, v2  }
0xac: {  	[tilespmem:s20], [sflag:$0x1] =	stream.indirect_vreg.gather [hbm4b:s3+s2], $0x80, v4, vm0, $0xb8;
	[tilespmem:$0x18100] =	vst v63  }
0xad: {  	v3 =	vadd.s32 v1, v3  }
0xae: {  	[tilespmem:s21], [sflag:$0x1] =	stream.indirect_vreg.gather [hbm4b:s4+s2], $0x80, v4, vm0, $0xb8;
	[tilespmem:$0x18100] =	vst v63  }
0xaf: {  	_ = 	snop  }
0xb0: {  	[tilespmem:s22], [sflag:$0x1] =	stream.indirect_vreg.gather [hbm4b:s5+s2], $0x80, v4, vm0, $0xb8;
	[tilespmem:$0x18100] =	vst v63  }
0xb1: {  	_ = 	snop  }
0xb2: {  	[tilespmem:s23], [sflag:$0x1] =	stream.indirect_vreg.gather [hbm4b:s3+s2], $0x80, v3, vm0, $0xb8;
	[tilespmem:$0x18100] =	vst v63  }
0xb3: {  	_ = 	snop  }
0xb4: {  	[tilespmem:s24], [sflag:$0x1] =	stream.indirect_vreg.gather [hbm4b:s4+s2], $0x80, v3, vm0, $0xb8;
	[tilespmem:$0x18100] =	vst v63  }
0xb5: {  	_ = 	snop  }
0xb6: {  	[tilespmem:s25], [sflag:$0x1] =	stream.indirect_vreg.gather [hbm4b:s5+s2], $0x80, v3, vm0, $0xb8;
	[tilespmem:$0x18100] =	vst v63  }
0xb7: {  	v3 =	vld [tilespmem:$0x180B0];
	_ =	sdelay $0x4  }
0xb8: {  	v63 =	vshrl.u32 v3, $0x3  }
0xb9: {  	v4 =	vmul.u32 $0x30, v63  }
0xba: {  	v3 =	vand.u32 $0x7, v3  }
0xbb: {  	v3 =	vor.u32 v3, v4  }
0xbc: {  	v4 =	vperm.xlane v3, v0;
	_ =	sdelay $0x1  }
0xbd: {  	v4 =	vadd.s32 v1, v4;
	_ =	sdelay $0x3  }
0xbe: {  	v3 =	vperm.xlane v3, v2  }
0xbf: {  	[tilespmem:s26], [sflag:$0x1] =	stream.indirect_vreg.gather [hbm4b:s3+s2], $0x80, v4, vm0, $0xb8;
	[tilespmem:$0x18100] =	vst v63  }
0xc0: {  	v3 =	vadd.s32 v1, v3  }
0xc1: {  	[tilespmem:s28], [sflag:$0x1] =	stream.indirect_vreg.gather [hbm4b:s4+s2], $0x80, v4, vm0, $0xb8;
	[tilespmem:$0x18100] =	vst v63  }
0xc2: {  	_ = 	snop  }
0xc3: {  	[tilespmem:s29], [sflag:$0x1] =	stream.indirect_vreg.gather [hbm4b:s5+s2], $0x80, v4, vm0, $0xb8;
	[tilespmem:$0x18100] =	vst v63  }
0xc4: {  	_ = 	snop  }
0xc5: {  	[tilespmem:s30], [sflag:$0x1] =	stream.indirect_vreg.gather [hbm4b:s3+s2], $0x80, v3, vm0, $0xb8;
	[tilespmem:$0x18100] =	vst v63  }
0xc6: {  	_ = 	snop  }
0xc7: {  	[tilespmem:s31], [sflag:$0x1] =	stream.indirect_vreg.gather [hbm4b:s4+s2], $0x80, v3, vm0, $0xb8;
	[tilespmem:$0x18100] =	vst v63  }
0xc8: {  	_ = 	snop  }
0xc9: {  	[tilespmem:s0], [sflag:$0x1] =	stream.indirect_vreg.gather [hbm4b:s5+s2], $0x80, v3, vm0, $0xb8;
	[tilespmem:$0x18100] =	vst v63  }
0xca: {  	_ =	swait.ge [sflag:s7], $0xC000  }
0xcb: {  	[sflag:s7] =	ssyncset.done $0x0  }
0xcc: {  	[sflag:s7] =	ssyncadd.s32 $0xFFFF4000  }
0xcd: {  	_ =	swait.ge [sflag:s7], $0xC000  }
0xce: {  	[sflag:s7] =	ssyncset.done $0x0  }
0xcf: {  	s10 =	rddreg [dreg:$0x5];
	[sflag:s7] =	ssyncadd.s32 $0xFFFF4000  }
0xd0: {  	[hbm4b:s10+s2] =	stream.linear.scatter [tilespmem:s2], [sflag:$0x1], $0xC000, $0x38;
	[tilespmem:$0x18100] =	vst v63  }
0xd1: {  	s11 =	rddreg [dreg:$0x6]  }
0xd2: {  	[hbm4b:s11+s2] =	stream.linear.scatter [tilespmem:s8], [sflag:$0x1], $0xC000, $0x38;
	[tilespmem:$0x18100] =	vst v63  }
0xd3: {  	p0 =	sne.s32 s6, $0x1;
	_ =	swait.ge [sflag:s7], $0xC000  }
.Ltmp0:
0xd4: {  	[sflag:s7] =	ssyncset.done $0x0;
	(pc) =	sbr.rel @p0 .LBB2_1-.Ltmp0, $4  }
0xd5: {  	[sflag:s7] =	ssyncadd.s32 $0xFFFF4000  }
0xd6: {  	_ =	swait.ge [sflag:s7], $0xC000  }
0xd7: {  	[sflag:s7] =	ssyncset.done $0x0  }
0xd8: {  	s6 =	sadd.s32 $0xFFFFFFFF, s6;
	[sflag:s7] =	ssyncadd.s32 $0xFFFF4000  }
0xd9: {  	_ =	sfence.sel $0x180000  }
0xda: {  	[bflag:$0x0] =	sbarrier.arrive $0xFFFF  }
0xdb: {  	_ =	strace $0x9000004A  }
0xdc: {  	s0 =	stileid.u32;
	[bflag:$0x2] =	sbarrier.arrive $0xFFFF  }
0xdd: {  	p0 =	sne.s32 s0, $0x0;
	s0 =	rddreg [dreg:$0x2]  }
0xde: {  	s0 =	sadd.s32 @!p0 $0x100000, s0  }
0xdf: {  	[sflag:s0] =	ssyncadd.tile.s32 @!p0 $0x1;
	_ =	shalt  }
.Lfunc_end2:
_tile_overlayer_lowered:
.L_overlay_start_2:
0xe0: {  	(tag) =	ssettag $0x2  }
0xe1: {  	s0 =	rddreg [dreg:$0x0];
	s2 =	stileid.u32  }
0xe2: {  	s1 =	rddreg [dreg:$0x1];
	p0 =	sne.s32 s2, $0x0  }
0xe3: {  	s3 =	rddreg [dreg:$0x2];
	[bflag:$0x3] =	sbarrier.arrive $0xFFFF;
	s2 =	simm.s32 @!p0 $0x1C02  }
0xe4: {  	[timem:s3], [sflag:s2] =	dma.local @!p0 [hbm:s0], s1  }
0xe5: {  	s0 =	simm.s32 @!p0 $0x2  }
0xe6: {  	_ =	swait.ge @!p0 [sflag:s0], s1  }
0xe7: {  	s1 =	ssub.s32 @!p0 $0x0, s1;
	[sflag:s0] =	ssyncset.done @!p0 $0x0  }
0xe8: {  	[sflag:s0] =	ssyncadd.s32 @!p0 s1  }
0xe9: {  	[bflag:$0x3] =	sbarrier.arrive $0xFFFF  }
0xea: {  	_ =	shalt  }

// kernel: kernel.7.cloned.1.call-start
scs
__scs_entry_jumppad:
0x0: {  	(pc) =	sbr.rel $0x88, $3  }
0x1: {  	(tag) =	ssettag $0x0;
	lr =	simm.s32 $0x1  }
0x2: {  	[smem:$0x3F9A] =	sst lr;
	_ =	strace $0xD0000000  }
0x3: {  	_ = 	snop  }
0x4: {  	_ = 	snop  }
0x5: {  	_ = 	snop  }
0x6: {  	_ = 	snop  }
0x7: {  	_ = 	snop  }
__scs_overlays_trampoline_lowered:
0x8: {  	[smem:$0x3FA9] =	sst s0  }
0x9: {  	[smem:$0x3FAA] =	sst s1  }
0xa: {  	[smem:$0x3FAB] =	sst s2  }
0xb: {  	[smem:$0x3FAC] =	sst s3  }
0xc: {  	[smem:$0x3FAD] =	sst s4  }
0xd: {  	[smem:$0x3FAE] =	sst s5  }
0xe: {  	[smem:$0x3FAF] =	sst s6  }
0xf: {  	[smem:$0x3FB0] =	sst s7  }
0x10: {  	[smem:$0x3FB1] =	sst s8  }
0x11: {  	[smem:$0x3FB2] =	sst s9;
	s0 =	simm.s32 @!p0 $0x0  }
0x12: {  	s1 =	sld [smem:$0x3F98];
	s0 =	simm.s32 @p0 $0x1  }
0x13: {  	[smem:$0x3FB3] =	sst s0;
	s0 =	simm.s32 @!p1 $0x0  }
0x14: {  	s2 =	sld [smem:$0x3F97];
	s0 =	simm.s32 @p1 $0x1  }
0x15: {  	[smem:$0x3FB4] =	sst s0;
	s0 =	simm.s32 @!p2 $0x0  }
0x16: {  	s3 =	sld [smem:$0x3FDB];
	s0 =	simm.s32 @p2 $0x1  }
0x17: {  	s4 =	simm.s32 $0x1BF5;
	[smem:$0x3FB6] =	sst s0  }
0x18: {  	s0 =	sld [smem:$0x3F99];
	_ =	swait.ge [sflag:s4], $0x0  }
0x19: {  	s7 =	sld [smem:$0x3F9A]  }
0x1a: {  	s8 =	sadd.s32 $0xFFFFE003, lr  }
0x1b: {  	s9 =	sadd.s32 $0xFFFFFEF7, lr;
	s5 =	simm.s32 $0xFFFFFFFF;
	p2 =	slt.u32 s8, $0xFFFFF086  }
0x1c: {  	p1 =	slt.u32 s9, $0xF7A;
	s5 =	simm.s32 @!p2 $0x0  }
0x1d: {  	s5 =	simm.s32 @p1 $0x1;
	p0 =	seq.s32 s7, s2  }
0x1e: {  	s7 =	smul.u32 @!p0 $0xF7A, s2;
	p2 =	seq.s32 @!p0 s5, $0x0  }
0x1f: {  	s9 =	smul.u32 $0xF7A, s1;
	s8 =	simm.s32 @!p0 $0x1BF5;
	p2 =	por !p2, p0  }
0x20: {  	[sflag:s8] =	ssyncset.s32 @!p0 $0xFFFFF086;
	s6 =	sadd.s32 @!p0 s3, s7;
	s7 =	simm.s32 @!p0 $0x108  }
0x21: {  	s3 =	sadd.s32 s3, s9;
	s6 =	sadd.s32 @!p0 $0x88, s6;
	s7 =	simm.s32 @p2 $0x1082  }
0x22: {  	[simem:s7], [sflag:s8] =	dma.local @!p0 [hbm:s6], $0xF7A  }
0x23: {  	s9 =	sor.u32 $0xD0000000, s2;
	s6 =	simm.s32 $0x108;
	_ =	swait.ge @!p0 [sflag:s8], $0x0  }
0x24: {  	s3 =	sadd.s32 $0x88, s3;
	s6 =	simm.s32 @!p1 $0x1082;
	[sflag:s4] =	ssyncset.s32 $0xFFFFF086  }
0x25: {  	[simem:s6], [sflag:s4] =	dma.local [hbm:s3], $0xF7A  }
0x26: {  	[smem:$0x3F9A] =	sst s1;
	(tag) =	ssettag s2;
	_ =	strace s9  }
0x27: {  	s1 =	sld [smem:$0x3FAA]  }
0x28: {  	s2 =	sld [smem:$0x3FAB]  }
0x29: {  	s4 =	sld [smem:$0x3FAD]  }
0x2a: {  	p0 =	seq.s32 s5, $0x0;
	s5 =	sld [smem:$0x3FAE]  }
0x2b: {  	s6 =	sld [smem:$0x3FAF]  }
0x2c: {  	s7 =	sld [smem:$0x3FB0]  }
0x2d: {  	s3 =	simm.s32 $0x108;
	s8 =	sld [smem:$0x3FB1]  }
0x2e: {  	s3 =	simm.s32 @!p0 $0x1082;
	s9 =	sld [smem:$0x3FB2]  }
0x2f: {  	lr =	sadd.s32 s0, s3;
	s0 =	sld [smem:$0x3FA9]  }
0x30: {  	s3 =	sld [smem:$0x3FAC]  }
0x31: {  	[smem:$0x3FB5] =	sst s10  }
0x32: {  	s10 =	sld [smem:$0x3FB3];
	_ =	sdelay $0x3  }
0x33: {  	p0 =	seq.s32 s10, $0x1;
	s10 =	sld [smem:$0x3FB5];
	_ =	sdelay $0x3  }
0x34: {  	[smem:$0x3FB5] =	sst s10  }
0x35: {  	s10 =	sld [smem:$0x3FB4];
	_ =	sdelay $0x3  }
0x36: {  	p1 =	seq.s32 s10, $0x1;
	s10 =	sld [smem:$0x3FB5];
	_ =	sdelay $0x3  }
0x37: {  	[smem:$0x3FB5] =	sst s10  }
0x38: {  	s10 =	sld [smem:$0x3FB6]  }
0x39: {  	_ = 	snop;
	(pc) =	sbr.ind lr, $3  }
0x3a: {  	_ = 	snop  }
0x3b: {  	_ = 	snop  }
0x3c: {  	p2 =	seq.s32 s10, $0x1;
	s10 =	sld [smem:$0x3FB5]  }
0x3d: {  	_ =	shalt  }
0x3e: {  	_ =	shalt  }
0x3f: {  	_ =	shalt  }
0x40: {  	_ =	shalt  }
0x41: {  	_ =	shalt  }
0x42: {  	_ =	shalt  }
0x43: {  	_ =	shalt  }
0x44: {  	_ =	shalt  }
0x45: {  	_ =	shalt  }
0x46: {  	_ =	shalt  }
0x47: {  	_ =	shalt  }
0x48: {  	_ =	shalt  }
0x49: {  	_ =	shalt  }
0x4a: {  	_ =	shalt  }
0x4b: {  	_ =	shalt  }
0x4c: {  	_ =	shalt  }
0x4d: {  	_ =	shalt  }
0x4e: {  	_ =	shalt  }
0x4f: {  	_ =	shalt  }
0x50: {  	_ =	shalt  }
0x51: {  	_ =	shalt  }
0x52: {  	_ =	shalt  }
0x53: {  	_ =	shalt  }
0x54: {  	_ =	shalt  }
0x55: {  	_ =	shalt  }
0x56: {  	_ =	shalt  }
0x57: {  	_ =	shalt  }
0x58: {  	_ =	shalt  }
0x59: {  	_ =	shalt  }
0x5a: {  	_ =	shalt  }
0x5b: {  	_ =	shalt  }
0x5c: {  	_ =	shalt  }
0x5d: {  	_ =	shalt  }
0x5e: {  	_ =	shalt  }
0x5f: {  	_ =	shalt  }
0x60: {  	_ =	shalt  }
0x61: {  	_ =	shalt  }
0x62: {  	_ =	shalt  }
0x63: {  	_ =	shalt  }
0x64: {  	_ =	shalt  }
0x65: {  	_ =	shalt  }
0x66: {  	_ =	shalt  }
0x67: {  	_ =	shalt  }
0x68: {  	_ =	shalt  }
0x69: {  	_ =	shalt  }
0x6a: {  	_ =	shalt  }
0x6b: {  	_ =	shalt  }
0x6c: {  	_ =	shalt  }
0x6d: {  	_ =	shalt  }
0x6e: {  	_ =	shalt  }
0x6f: {  	_ =	shalt  }
0x70: {  	_ =	shalt  }
0x71: {  	_ =	shalt  }
0x72: {  	_ =	shalt  }
0x73: {  	_ =	shalt  }
0x74: {  	_ =	shalt  }
0x75: {  	_ =	shalt  }
0x76: {  	_ =	shalt  }
0x77: {  	_ =	shalt  }
0x78: {  	_ =	shalt  }
0x79: {  	_ =	shalt  }
0x7a: {  	_ =	shalt  }
0x7b: {  	_ =	shalt  }
0x7c: {  	_ =	shalt  }
0x7d: {  	_ =	shalt  }
0x7e: {  	_ =	shalt  }
0x7f: {  	_ =	shalt  }
0x80: {  	_ =	shalt  }
0x81: {  	_ =	shalt  }
0x82: {  	_ =	shalt  }
0x83: {  	_ =	shalt  }
0x84: {  	_ =	shalt  }
0x85: {  	_ =	shalt  }
0x86: {  	_ =	shalt  }
0x87: {  	_ =	shalt  }
.Lfunc_end0:
.L_simem_size_0:
called_computation_lowered:
.L_overlay_start_0:
0x88: {  	s2 =	sld [smem:$0x3FD9]  }
0x89: {  	s3 =	sld [smem:$0x3FFE];
	_ =	sdelay $0x1  }
0x8a: {  	s1 =	srdreg.scid  }
0x8b: {  	s0 =	sand.u32 $0x1, s1  }
0x8c: {  	s17 =	sshll.u32 s0, $0xA;
	s2 =	sadd.s32 s3, s2  }
0x8d: {  	s2 =	sadd.s32 s2, s17  }
0x8e: {  	[smem:$0x3FC1] =	sst s2  }
0x8f: {  	_ = 	snop  }
0x90: {  	s2 =	sld [smem:$0x3FC9]  }
0x91: {  	s18 =	sld [smem:$0x3FD0];
	(tm) =	ssettm $0x1  }
0x92: {  	s4 =	sld [smem:$0x3FFB];
	_ =	sdelay $0x3  }
0x93: {  	_ =	strace s4  }
0x94: {  	s4 =	sld [smem:$0x3FFC];
	_ =	sdelay $0x3  }
0x95: {  	_ =	strace s4  }
0x96: {  	s4 =	sld [smem:$0x3FFD];
	_ =	sdelay $0x3  }
0x97: {  	_ =	strace s4  }
0x98: {  	_ =	strace $0x8FFFFFFF  }
0x99: {  	s19 =	sld [smem:$0x3FDB];
	_ =	sdelay $0x1  }
0x9a: {  	s5 =	simm.s32 $_scs_section_size  }
0x9b: {  	s6 =	simm.s32 $_size__tile_overlayer_lowered;
	s7 =	simm.s32 $_tile_overlayer_lowered  }
0x9c: {  	s22 =	simm.s32 $0x1BFF;
	s21 =	sshll.u32 s7, $0x1;
	s4 =	sadd.s32 s5, s19  }
0x9d: {  	s8 =	simm.s32 $0x0;
	s20 =	sshll.u32 s6, $0x1;
	s6 =	sadd.s32 s21, s4  }
0x9e: {  	[timem:s8], [sflag:s22] =	dma.local [hbm:s6], s20  }
0x9f: {  	_ =	swait.ge [sflag:s22], s20  }
0xa0: {  	s5 =	ssub.s32 $0x0, s20;
	[sflag:s22] =	ssyncset.done $0x0  }
0xa1: {  	[sflag:s22] =	ssyncadd.s32 s5;
	_ =	sdelay $0x1  }
0xa2: {  	s23 =	simm.s32 $0x1B8B  }
0xa3: {  	_ =	swait.ge [sflag:s23], $0x1  }
0xa4: {  	[sflag:s23] =	ssyncset.done $0x0  }
0xa5: {  	s25 =	simm.s32 $0x1B8E;
	s24 =	sld [smem:$0x3FFE];
	[sflag:s23] =	ssyncadd.s32 $0xFFFFFFFF  }
0xa6: {  	s26 =	simm.s32 $execute0_lowered;
	[smem:$0x3FD2] =	sst s25  }
0xa7: {  	s6 =	sshll.u32 s26, $0x1;
	_ =	strace $0x80000046;
	[dreg:$0x1] =	wrdreg $0xFFFFFFFF  }
0xa8: {  	s28 =	simm.s32 $_size_execute0_lowered;
	s4 =	sadd.s32 s4, s6;
	[dreg:$0x0] =	wrdreg $0x0  }
0xa9: {  	s6 =	sshll.u32 s28, $0x1;
	[dreg:$0x2] =	wrdreg s4  }
0xaa: {  	[dreg:$0x3] =	wrdreg s6  }
0xab: {  	[dreg:$0x4] =	wrdreg $0xC0  }
0xac: {  	_ =	task [dreg:s8], $0x5FFFF  }
0xad: {  	[dreg:$0x1] =	wrdreg $0xFFFFFFFF  }
0xae: {  	[dreg:$0x0] =	wrdreg $0x60  }
0xaf: {  	[dreg:$0x2] =	wrdreg s2  }
0xb0: {  	[dreg:$0x3] =	wrdreg s18  }
0xb1: {  	[dreg:$0x4] =	wrdreg s24  }
0xb2: {  	[dreg:$0x5] =	wrdreg $0x9  }
0xb3: {  	_ =	task.clear_ibuf [dreg:s8], $0x6FFFF;
	_ =	strace $0x90000046  }
0xb4: {  	s29 =	simm.s32 $0x9;
	_ =	strace $0x80000048  }
0xb5: {  	_ =	swait.ge [sflag:s29], $0x1  }
0xb6: {  	[sflag:s29] =	ssyncadd.s32 $0xFFFFFFFF  }
0xb7: {  	_ =	strace $0x90000048  }
0xb8: {  	_ =	sfence  }
0xb9: {  	s30 =	sld [smem:$0x0];
	_ =	sdelay $0x2  }
0xba: {  	s31 =	sshll.u32 s1, $0xD;
	s1 =	sshrl.u32 s1, $0x2  }
0xbb: {  	s3 =	sand.u32 $0x4000, s31;
	s1 =	sadd.s32 s1, s30  }
0xbc: {  	s0 =	sor.u32 s3, s0;
	s1 =	sshll.u32 s1, $0x11  }
0xbd: {  	s0 =	sor.u32 s1, s0  }
0xbe: {  	s0 =	sadd.s32 $0x8F2B, s0  }
0xbf: {  	[sflag:s0] =	ssyncadd.remote.s32 $0x1  }
0xc0: {  	_ =	sfence.sel $0xFFFF  }
0xc1: {  	[dreg:$0x0] =	wrdreg $0xFFFFFFFF;
	(pc) =	sbr.abs _section_cstart, $3  }
0xc2: {  	[dreg:$0x1] =	wrdreg $0xFFFFFFFF  }
0xc3: {  	_ =	task.clear_ibuf [dreg:s8], $0x2FFFF;
	_ =	strace $0x9FFFFFFF  }
0xc4: {  	(tm) =	ssettm $0x7FFFFFFF  }
0xc5: {  	_ =	shalt  }
tec
execute0_lowered:
.L_overlay_start_1:
0x0: {  	(tag) =	ssettag $0x1  }
0x1: {  	s1 =	rddreg [dreg:$0x0];
	s2 =	srdreg.scid  }
0x2: {  	s4 =	rddreg [dreg:$0x1];
	s0 =	stileid.u32  }
0x3: {  	s6 =	rddreg [dreg:$0x2];
	s25 =	simm.s32 $0xC000;
	s26 =	simm.s32 $0xC080  }
0x4: {  	s11 =	simm.s32 $0x1800;
	s12 =	simm.s32 $0x2000;
	s13 =	simm.s32 $0x2800  }
0x5: {  	s14 =	simm.s32 $0x3000;
	s15 =	simm.s32 $0x3800;
	s16 =	simm.s32 $0x4000  }
0x6: {  	s17 =	simm.s32 $0x4800;
	s18 =	simm.s32 $0x5000;
	s19 =	simm.s32 $0x5800  }
0x7: {  	s20 =	simm.s32 $0x6000;
	s21 =	simm.s32 $0x6800;
	s28 =	simm.s32 $0x9800  }
0x8: {  	s29 =	simm.s32 $0xA000;
	s30 =	simm.s32 $0xA800;
	s31 =	simm.s32 $0xB000  }
0x9: {  	s5 =	sand.u32 $0x1, s2;
	s3 =	sshll.u32 s0, $0x4;
	s2 =	simm.s32 $0x0  }
0xa: {  	s7 =	sshll.u32 s5, $0x3;
	[smem:$0x7FF] =	sst s2;
	s5 =	ssub.s32 $0x2, s5  }
0xb: {  	s7 =	sor.u32 s7, s3;
	_ =	strace $0x80000047;
	[dreg:$0x6] =	wrdreg s25  }
0xc: {  	s3 =	sadd.s32 $0x1600, s6;
	s23 =	sshrl.u32 s5, $0x1;
	[dreg:$0x7] =	wrdreg s26  }
0xd: {  	s25 =	simm.s32 $0x8800;
	s26 =	simm.s32 $0x9000;
	s8 =	smul.u32 $0x300, s7  }
0xe: {  	s22 =	sadd.s32 s4, s7;
	s7 =	ssub.s32 s5, s23;
	s5 =	sadd.s32 $0x1700, s6  }
0xf: {  	s6 =	sadd.s32 $0x1800, s6;
	s23 =	simm.s32 $0x7800;
	[dreg:$0x8] =	wrdreg s22  }
0x10: {  	v2 =	vlaneseq.u32;
	s24 =	sadd.s32 $0x100, s22;
	s7 =	smax.u32 s7, $0x1;
	s22 =	simm.s32 $0x7000  }
0x11: {  	vm0 =	vmmov $0xffff;
	v1 =	vshrl.u32 v2, $0x3;
	s1 =	sadd.s32 s1, s8;
	[dreg:$0x5] =	wrdreg s24;
	s8 =	simm.s32 $0x1  }
0x12: {  	v0 =	vand.u32 $0x7, v2;
	v2 =	vor.u32 $0x8, v2;
	v1 =	vmul.u32 $0x8, v1;
	s24 =	simm.s32 $0x8000;
	[dreg:$0x4] =	wrdreg s1;
	s1 =	simm.s32 $0xB800  }
.LBB2_1:
0x13: {  	s0 =	rddreg [dreg:$0x4]  }
0x14: {  	s4 =	rddreg [dreg:$0x5]  }
0x15: {  	s10 =	rddreg [dreg:$0x8]  }
0x16: {  	[tilespmem:s2], [sflag:$0x1] =	stream.linear.gather [hbm4b:s0+s2], $0xC000, $0x38;
	[tilespmem:$0xC100] =	vst v63  }
0x17: {  	s0 =	rddreg [dreg:$0x6]  }
0x18: {  	[tilespmem:s0], [sflag:$0x1] =	stream.linear.gather [hbm4b:s10+s2], $0x40, $0x38;
	[tilespmem:$0xC100] =	vst v63  }
0x19: {  	s9 =	rddreg [dreg:$0x7]  }
0x1a: {  	[tilespmem:s9], [sflag:$0x1] =	stream.linear.gather [hbm4b:s4+s2], $0x40, $0x38;
	[tilespmem:$0xC100] =	vst v63  }
0x1b: {  	_ =	swait.ge [sflag:s8], $0xC000  }
0x1c: {  	[sflag:s8] =	ssyncset.done $0x0  }
0x1d: {  	[sflag:s8] =	ssyncadd.s32 $0xFFFF4000  }
0x1e: {  	_ =	swait.ge [sflag:s8], $0x40  }
0x1f: {  	[sflag:s8] =	ssyncset.done $0x0  }
0x20: {  	[sflag:s8] =	ssyncadd.s32 $0xFFFFFFC0  }
0x21: {  	_ =	swait.ge [sflag:s8], $0x40  }
0x22: {  	[sflag:s8] =	ssyncset.done $0x0  }
0x23: {  	[sflag:s8] =	ssyncadd.s32 $0xFFFFFFC0  }
0x24: {  	v3 =	vld [tilespmem:$0xC000];
	_ =	sdelay $0x4  }
0x25: {  	v4 =	vshrl.u32 v3, $0x3  }
0x26: {  	v4 =	vmul.u32 $0x30, v4  }
0x27: {  	v3 =	vand.u32 $0x7, v3  }
0x28: {  	v3 =	vor.u32 v3, v4  }
0x29: {  	v4 =	vperm.xlane v3, v0;
	_ =	sdelay $0x1  }
0x2a: {  	v4 =	vadd.s32 v1, v4;
	_ =	sdelay $0x3  }
0x2b: {  	v3 =	vperm.xlane v3, v2  }
0x2c: {  	[hbm4b:s3+s2] =	stream.indirect_vreg.scatter [tilespmem:s2], [sflag:$0x1], $0x80, v4, vm0, $0xb8;
	[tilespmem:$0xC100] =	vst v63  }
0x2d: {  	s9 =	simm.s32 $0x800;
	v3 =	vadd.s32 v1, v3  }
0x2e: {  	[hbm4b:s5+s2] =	stream.indirect_vreg.scatter [tilespmem:s9], [sflag:$0x1], $0x80, v4, vm0, $0xb8;
	[tilespmem:$0xC100] =	vst v63  }
0x2f: {  	s10 =	simm.s32 $0x1000  }
0x30: {  	[hbm4b:s6+s2] =	stream.indirect_vreg.scatter [tilespmem:s10], [sflag:$0x1], $0x80, v4, vm0, $0xb8;
	[tilespmem:$0xC100] =	vst v63  }
0x31: {  	_ = 	snop  }
0x32: {  	[hbm4b:s3+s2] =	stream.indirect_vreg.scatter [tilespmem:s11], [sflag:$0x1], $0x80, v3, vm0, $0xb8;
	[tilespmem:$0xC100] =	vst v63  }
0x33: {  	_ = 	snop  }
0x34: {  	[hbm4b:s5+s2] =	stream.indirect_vreg.scatter [tilespmem:s12], [sflag:$0x1], $0x80, v3, vm0, $0xb8;
	[tilespmem:$0xC100] =	vst v63  }
0x35: {  	_ = 	snop  }
0x36: {  	[hbm4b:s6+s2] =	stream.indirect_vreg.scatter [tilespmem:s13], [sflag:$0x1], $0x80, v3, vm0, $0xb8;
	[tilespmem:$0xC100] =	vst v63  }
0x37: {  	v3 =	vld [tilespmem:$0xC010];
	_ =	sdelay $0x4  }
0x38: {  	v57 =	vshrl.u32 v3, $0x3  }
0x39: {  	v4 =	vmul.u32 $0x30, v57  }
0x3a: {  	v3 =	vand.u32 $0x7, v3  }
0x3b: {  	v3 =	vor.u32 v3, v4  }
0x3c: {  	v4 =	vperm.xlane v3, v0;
	_ =	sdelay $0x1  }
0x3d: {  	v4 =	vadd.s32 v1, v4;
	_ =	sdelay $0x3  }
0x3e: {  	v3 =	vperm.xlane v3, v2  }
0x3f: {  	[hbm4b:s3+s2] =	stream.indirect_vreg.scatter [tilespmem:s14], [sflag:$0x1], $0x80, v4, vm0, $0xb8;
	[tilespmem:$0xC100] =	vst v63  }
0x40: {  	v3 =	vadd.s32 v1, v3  }
0x41: {  	[hbm4b:s5+s2] =	stream.indirect_vreg.scatter [tilespmem:s15], [sflag:$0x1], $0x80, v4, vm0, $0xb8;
	[tilespmem:$0xC100] =	vst v63  }
0x42: {  	_ = 	snop  }
0x43: {  	[hbm4b:s6+s2] =	stream.indirect_vreg.scatter [tilespmem:s16], [sflag:$0x1], $0x80, v4, vm0, $0xb8;
	[tilespmem:$0xC100] =	vst v63  }
0x44: {  	_ = 	snop  }
0x45: {  	[hbm4b:s3+s2] =	stream.indirect_vreg.scatter [tilespmem:s17], [sflag:$0x1], $0x80, v3, vm0, $0xb8;
	[tilespmem:$0xC100] =	vst v63  }
0x46: {  	_ = 	snop  }
0x47: {  	[hbm4b:s5+s2] =	stream.indirect_vreg.scatter [tilespmem:s18], [sflag:$0x1], $0x80, v3, vm0, $0xb8;
	[tilespmem:$0xC100] =	vst v63  }
0x48: {  	_ = 	snop  }
0x49: {  	[hbm4b:s6+s2] =	stream.indirect_vreg.scatter [tilespmem:s19], [sflag:$0x1], $0x80, v3, vm0, $0xb8;
	[tilespmem:$0xC100] =	vst v63  }
0x4a: {  	v3 =	vld [tilespmem:$0xC020];
	_ =	sdelay $0x4  }
0x4b: {  	v58 =	vshrl.u32 v3, $0x3  }
0x4c: {  	v4 =	vmul.u32 $0x30, v58  }
0x4d: {  	v3 =	vand.u32 $0x7, v3  }
0x4e: {  	v3 =	vor.u32 v3, v4  }
0x4f: {  	v4 =	vperm.xlane v3, v0;
	_ =	sdelay $0x1  }
0x50: {  	v4 =	vadd.s32 v1, v4;
	_ =	sdelay $0x3  }
0x51: {  	v3 =	vperm.xlane v3, v2  }
0x52: {  	[hbm4b:s3+s2] =	stream.indirect_vreg.scatter [tilespmem:s20], [sflag:$0x1], $0x80, v4, vm0, $0xb8;
	[tilespmem:$0xC100] =	vst v63  }
0x53: {  	v3 =	vadd.s32 v1, v3  }
0x54: {  	[hbm4b:s5+s2] =	stream.indirect_vreg.scatter [tilespmem:s21], [sflag:$0x1], $0x80, v4, vm0, $0xb8;
	[tilespmem:$0xC100] =	vst v63  }
0x55: {  	_ = 	snop  }
0x56: {  	[hbm4b:s6+s2] =	stream.indirect_vreg.scatter [tilespmem:s22], [sflag:$0x1], $0x80, v4, vm0, $0xb8;
	[tilespmem:$0xC100] =	vst v63  }
0x57: {  	_ = 	snop  }
0x58: {  	[hbm4b:s3+s2] =	stream.indirect_vreg.scatter [tilespmem:s23], [sflag:$0x1], $0x80, v3, vm0, $0xb8;
	[tilespmem:$0xC100] =	vst v63  }
0x59: {  	_ = 	snop  }
0x5a: {  	[hbm4b:s5+s2] =	stream.indirect_vreg.scatter [tilespmem:s24], [sflag:$0x1], $0x80, v3, vm0, $0xb8;
	[tilespmem:$0xC100] =	vst v63  }
0x5b: {  	_ = 	snop  }
0x5c: {  	[hbm4b:s6+s2] =	stream.indirect_vreg.scatter [tilespmem:s25], [sflag:$0x1], $0x80, v3, vm0, $0xb8;
	[tilespmem:$0xC100] =	vst v63  }
0x5d: {  	v3 =	vld [tilespmem:$0xC030];
	_ =	sdelay $0x4  }
0x5e: {  	v59 =	vshrl.u32 v3, $0x3  }
0x5f: {  	v4 =	vmul.u32 $0x30, v59  }
0x60: {  	v3 =	vand.u32 $0x7, v3  }
0x61: {  	v3 =	vor.u32 v3, v4  }
0x62: {  	v4 =	vperm.xlane v3, v0;
	_ =	sdelay $0x1  }
0x63: {  	v4 =	vadd.s32 v1, v4;
	_ =	sdelay $0x3  }
0x64: {  	v3 =	vperm.xlane v3, v2  }
0x65: {  	[hbm4b:s3+s2] =	stream.indirect_vreg.scatter [tilespmem:s26], [sflag:$0x1], $0x80, v4, vm0, $0xb8;
	[tilespmem:$0xC100] =	vst v63  }
0x66: {  	v3 =	vadd.s32 v1, v3  }
0x67: {  	[hbm4b:s5+s2] =	stream.indirect_vreg.scatter [tilespmem:s28], [sflag:$0x1], $0x80, v4, vm0, $0xb8;
	[tilespmem:$0xC100] =	vst v63  }
0x68: {  	_ = 	snop  }
0x69: {  	[hbm4b:s6+s2] =	stream.indirect_vreg.scatter [tilespmem:s29], [sflag:$0x1], $0x80, v4, vm0, $0xb8;
	[tilespmem:$0xC100] =	vst v63  }
0x6a: {  	_ = 	snop  }
0x6b: {  	[hbm4b:s3+s2] =	stream.indirect_vreg.scatter [tilespmem:s30], [sflag:$0x1], $0x80, v3, vm0, $0xb8;
	[tilespmem:$0xC100] =	vst v63  }
0x6c: {  	_ = 	snop  }
0x6d: {  	[hbm4b:s5+s2] =	stream.indirect_vreg.scatter [tilespmem:s31], [sflag:$0x1], $0x80, v3, vm0, $0xb8;
	[tilespmem:$0xC100] =	vst v63  }
0x6e: {  	_ = 	snop  }
0x6f: {  	[hbm4b:s6+s2] =	stream.indirect_vreg.scatter [tilespmem:s1], [sflag:$0x1], $0x80, v3, vm0, $0xb8;
	[tilespmem:$0xC100] =	vst v63  }
0x70: {  	v3 =	vld [tilespmem:$0xC080];
	_ =	sdelay $0x4  }
0x71: {  	v60 =	vshrl.u32 v3, $0x3  }
0x72: {  	v4 =	vmul.u32 $0x30, v60  }
0x73: {  	v3 =	vand.u32 $0x7, v3  }
0x74: {  	v3 =	vor.u32 v3, v4  }
0x75: {  	v4 =	vperm.xlane v3, v0;
	_ =	sdelay $0x1  }
0x76: {  	v4 =	vadd.s32 v1, v4;
	_ =	sdelay $0x3  }
0x77: {  	v3 =	vperm.xlane v3, v2  }
0x78: {  	[hbm4b:s3+s2] =	stream.indirect_vreg.scatter [tilespmem:s2], [sflag:$0x1], $0x80, v4, vm0, $0xb8;
	[tilespmem:$0xC100] =	vst v63  }
0x79: {  	v3 =	vadd.s32 v1, v3  }
0x7a: {  	[hbm4b:s5+s2] =	stream.indirect_vreg.scatter [tilespmem:s9], [sflag:$0x1], $0x80, v4, vm0, $0xb8;
	[tilespmem:$0xC100] =	vst v63  }
0x7b: {  	_ = 	snop  }
0x7c: {  	[hbm4b:s6+s2] =	stream.indirect_vreg.scatter [tilespmem:s10], [sflag:$0x1], $0x80, v4, vm0, $0xb8;
	[tilespmem:$0xC100] =	vst v63  }
0x7d: {  	_ = 	snop  }
0x7e: {  	[hbm4b:s3+s2] =	stream.indirect_vreg.scatter [tilespmem:s11], [sflag:$0x1], $0x80, v3, vm0, $0xb8;
	[tilespmem:$0xC100] =	vst v63  }
0x7f: {  	_ = 	snop  }
0x80: {  	[hbm4b:s5+s2] =	stream.indirect_vreg.scatter [tilespmem:s12], [sflag:$0x1], $0x80, v3, vm0, $0xb8;
	[tilespmem:$0xC100] =	vst v63  }
0x81: {  	_ = 	snop  }
0x82: {  	[hbm4b:s6+s2] =	stream.indirect_vreg.scatter [tilespmem:s13], [sflag:$0x1], $0x80, v3, vm0, $0xb8;
	[tilespmem:$0xC100] =	vst v63  }
0x83: {  	v3 =	vld [tilespmem:$0xC090];
	_ =	sdelay $0x4  }
0x84: {  	v61 =	vshrl.u32 v3, $0x3  }
0x85: {  	v4 =	vmul.u32 $0x30, v61  }
0x86: {  	v3 =	vand.u32 $0x7, v3  }
0x87: {  	v3 =	vor.u32 v3, v4  }
0x88: {  	v4 =	vperm.xlane v3, v0;
	_ =	sdelay $0x1  }
0x89: {  	v4 =	vadd.s32 v1, v4;
	_ =	sdelay $0x3  }
0x8a: {  	v3 =	vperm.xlane v3, v2  }
0x8b: {  	[hbm4b:s3+s2] =	stream.indirect_vreg.scatter [tilespmem:s14], [sflag:$0x1], $0x80, v4, vm0, $0xb8;
	[tilespmem:$0xC100] =	vst v63  }
0x8c: {  	v3 =	vadd.s32 v1, v3  }
0x8d: {  	[hbm4b:s5+s2] =	stream.indirect_vreg.scatter [tilespmem:s15], [sflag:$0x1], $0x80, v4, vm0, $0xb8;
	[tilespmem:$0xC100] =	vst v63  }
0x8e: {  	_ = 	snop  }
0x8f: {  	[hbm4b:s6+s2] =	stream.indirect_vreg.scatter [tilespmem:s16], [sflag:$0x1], $0x80, v4, vm0, $0xb8;
	[tilespmem:$0xC100] =	vst v63  }
0x90: {  	_ = 	snop  }
0x91: {  	[hbm4b:s3+s2] =	stream.indirect_vreg.scatter [tilespmem:s17], [sflag:$0x1], $0x80, v3, vm0, $0xb8;
	[tilespmem:$0xC100] =	vst v63  }
0x92: {  	_ = 	snop  }
0x93: {  	[hbm4b:s5+s2] =	stream.indirect_vreg.scatter [tilespmem:s18], [sflag:$0x1], $0x80, v3, vm0, $0xb8;
	[tilespmem:$0xC100] =	vst v63  }
0x94: {  	_ = 	snop  }
0x95: {  	[hbm4b:s6+s2] =	stream.indirect_vreg.scatter [tilespmem:s19], [sflag:$0x1], $0x80, v3, vm0, $0xb8;
	[tilespmem:$0xC100] =	vst v63  }
0x96: {  	v3 =	vld [tilespmem:$0xC0A0];
	_ =	sdelay $0x4  }
0x97: {  	v62 =	vshrl.u32 v3, $0x3  }
0x98: {  	v4 =	vmul.u32 $0x30, v62  }
0x99: {  	v3 =	vand.u32 $0x7, v3  }
0x9a: {  	v3 =	vor.u32 v3, v4  }
0x9b: {  	v4 =	vperm.xlane v3, v0;
	_ =	sdelay $0x1  }
0x9c: {  	v4 =	vadd.s32 v1, v4;
	_ =	sdelay $0x3  }
0x9d: {  	v3 =	vperm.xlane v3, v2  }
0x9e: {  	[hbm4b:s3+s2] =	stream.indirect_vreg.scatter [tilespmem:s20], [sflag:$0x1], $0x80, v4, vm0, $0xb8;
	[tilespmem:$0xC100] =	vst v63  }
0x9f: {  	v3 =	vadd.s32 v1, v3  }
0xa0: {  	[hbm4b:s5+s2] =	stream.indirect_vreg.scatter [tilespmem:s21], [sflag:$0x1], $0x80, v4, vm0, $0xb8;
	[tilespmem:$0xC100] =	vst v63  }
0xa1: {  	_ = 	snop  }
0xa2: {  	[hbm4b:s6+s2] =	stream.indirect_vreg.scatter [tilespmem:s22], [sflag:$0x1], $0x80, v4, vm0, $0xb8;
	[tilespmem:$0xC100] =	vst v63  }
0xa3: {  	_ = 	snop  }
0xa4: {  	[hbm4b:s3+s2] =	stream.indirect_vreg.scatter [tilespmem:s23], [sflag:$0x1], $0x80, v3, vm0, $0xb8;
	[tilespmem:$0xC100] =	vst v63  }
0xa5: {  	_ = 	snop  }
0xa6: {  	[hbm4b:s5+s2] =	stream.indirect_vreg.scatter [tilespmem:s24], [sflag:$0x1], $0x80, v3, vm0, $0xb8;
	[tilespmem:$0xC100] =	vst v63  }
0xa7: {  	_ = 	snop  }
0xa8: {  	[hbm4b:s6+s2] =	stream.indirect_vreg.scatter [tilespmem:s25], [sflag:$0x1], $0x80, v3, vm0, $0xb8;
	[tilespmem:$0xC100] =	vst v63  }
0xa9: {  	v3 =	vld [tilespmem:$0xC0B0];
	_ =	sdelay $0x4  }
0xaa: {  	v63 =	vshrl.u32 v3, $0x3  }
0xab: {  	v4 =	vmul.u32 $0x30, v63  }
0xac: {  	v3 =	vand.u32 $0x7, v3  }
0xad: {  	v3 =	vor.u32 v3, v4  }
0xae: {  	v4 =	vperm.xlane v3, v0;
	_ =	sdelay $0x1  }
0xaf: {  	v4 =	vadd.s32 v1, v4;
	_ =	sdelay $0x3  }
0xb0: {  	v3 =	vperm.xlane v3, v2  }
0xb1: {  	[hbm4b:s3+s2] =	stream.indirect_vreg.scatter [tilespmem:s26], [sflag:$0x1], $0x80, v4, vm0, $0xb8;
	[tilespmem:$0xC100] =	vst v63  }
0xb2: {  	v3 =	vadd.s32 v1, v3  }
0xb3: {  	[hbm4b:s5+s2] =	stream.indirect_vreg.scatter [tilespmem:s28], [sflag:$0x1], $0x80, v4, vm0, $0xb8;
	[tilespmem:$0xC100] =	vst v63  }
0xb4: {  	_ = 	snop  }
0xb5: {  	[hbm4b:s6+s2] =	stream.indirect_vreg.scatter [tilespmem:s29], [sflag:$0x1], $0x80, v4, vm0, $0xb8;
	[tilespmem:$0xC100] =	vst v63  }
0xb6: {  	_ = 	snop  }
0xb7: {  	[hbm4b:s3+s2] =	stream.indirect_vreg.scatter [tilespmem:s30], [sflag:$0x1], $0x80, v3, vm0, $0xb8;
	[tilespmem:$0xC100] =	vst v63  }
0xb8: {  	_ = 	snop  }
0xb9: {  	[hbm4b:s5+s2] =	stream.indirect_vreg.scatter [tilespmem:s31], [sflag:$0x1], $0x80, v3, vm0, $0xb8;
	[tilespmem:$0xC100] =	vst v63  }
0xba: {  	_ = 	snop  }
0xbb: {  	[hbm4b:s6+s2] =	stream.indirect_vreg.scatter [tilespmem:s1], [sflag:$0x1], $0x80, v3, vm0, $0xb8;
	[tilespmem:$0xC100] =	vst v63  }
0xbc: {  	p0 =	sne.s32 s7, $0x1;
	_ =	swait.ge [sflag:s8], $0xC000  }
.Ltmp0:
0xbd: {  	[sflag:s8] =	ssyncset.done $0x0;
	(pc) =	sbr.rel @p0 .LBB2_1-.Ltmp0, $4  }
0xbe: {  	[sflag:s8] =	ssyncadd.s32 $0xFFFF4000  }
0xbf: {  	_ =	swait.ge [sflag:s8], $0xC000  }
0xc0: {  	[sflag:s8] =	ssyncset.done $0x0  }
0xc1: {  	s7 =	sadd.s32 $0xFFFFFFFF, s7;
	[sflag:s8] =	ssyncadd.s32 $0xFFFF4000  }
0xc2: {  	_ =	sfence.sel $0x180000  }
0xc3: {  	[bflag:$0x0] =	sbarrier.arrive $0xFFFF  }
0xc4: {  	_ =	strace $0x90000047  }
0xc5: {  	s0 =	stileid.u32;
	[bflag:$0x2] =	sbarrier.arrive $0xFFFF  }
0xc6: {  	p0 =	sne.s32 s0, $0x0;
	s0 =	rddreg [dreg:$0x3]  }
0xc7: {  	s0 =	sadd.s32 @!p0 $0x100000, s0  }
0xc8: {  	[sflag:s0] =	ssyncadd.tile.s32 @!p0 $0x1;
	_ =	shalt  }
.Lfunc_end2:
_tile_overlayer_lowered:
.L_overlay_start_2:
0xc9: {  	(tag) =	ssettag $0x2  }
0xca: {  	s0 =	rddreg [dreg:$0x0];
	s2 =	stileid.u32  }
0xcb: {  	s1 =	rddreg [dreg:$0x1];
	p0 =	sne.s32 s2, $0x0  }
0xcc: {  	s3 =	rddreg [dreg:$0x2];
	[bflag:$0x3] =	sbarrier.arrive $0xFFFF;
	s2 =	simm.s32 @!p0 $0x1C02  }
0xcd: {  	[timem:s3], [sflag:s2] =	dma.local @!p0 [hbm:s0], s1  }
0xce: {  	s0 =	simm.s32 @!p0 $0x2  }
0xcf: {  	_ =	swait.ge @!p0 [sflag:s0], s1  }
0xd0: {  	s1 =	ssub.s32 @!p0 $0x0, s1;
	[sflag:s0] =	ssyncset.done @!p0 $0x0  }
0xd1: {  	[sflag:s0] =	ssyncadd.s32 @!p0 s1  }
0xd2: {  	[bflag:$0x3] =	sbarrier.arrive $0xFFFF  }
0xd3: {  	_ =	shalt  }

</sc_bundles>
